<compile_context>
chip_gen: v7x
topology: tpu7x:2x2x1
jax: 0.10.2.dev20260603
libtpu: 0.0.44.dev20260713+nightly
codegen_flags: <defaults>
</compile_context>

<pallas_src>
import functools

import jax
import jax.numpy as jnp
from jax import lax
from jax.experimental import pallas as pl
from jax.experimental.pallas import tpu as pltpu
from jax.experimental.pallas import tpu_sc as plsc

_NC = 2
_NS = 16
_NW = _NC * _NS
_K = 80
_R = 400
_EPS = 1e-5


def _seg_sum_sc(hs, src3, dst3, n):
    nk = len(hs)
    c = hs[0].shape[1]
    steps = src3.shape[1]
    npad = -(-n // (_NS * 8)) * (_NS * 8)
    rpt = npad // _NS
    zeros = jnp.zeros((rpt, c), jnp.float32)
    mesh = plsc.VectorSubcoreMesh(core_axis_name="c", subcore_axis_name="s")

    @functools.partial(
        pl.kernel,
        out_type=jax.ShapeDtypeStruct((_NC * nk, npad, c), jnp.float32),
        mesh=mesh,
        scratch_types=[
            pltpu.VMEM((steps, _K), jnp.int32),
            pltpu.VMEM((steps, _K), jnp.int32),
            pltpu.VMEM((_K, c), jnp.float32),
            pltpu.VMEM_SHARED((npad, c), jnp.float32),
            pltpu.SemaphoreType.DMA,
        ],
    )
    def seg(src_hbm, dst_hbm, zero_hbm, *rest):
        h_refs = rest[:nk]
        out = rest[nk]
        srcv, dstv, rows, acc, sem = rest[nk + 1:]
        cid = lax.axis_index("c")
        sid = lax.axis_index("s")
        wid = sid * _NC + cid
        row0 = sid * rpt
        pltpu.sync_copy(src_hbm.at[wid], srcv)
        pltpu.sync_copy(dst_hbm.at[wid], dstv)
        for k in range(nk):
            pltpu.sync_copy(zero_hbm, acc.at[pl.ds(row0, rpt)])
            plsc.subcore_barrier()

            def step(i, carry, k=k):
                pltpu.async_copy(h_refs[k].at[srcv.at[i]], rows, sem).wait()
                pltpu.sync_copy(rows, acc.at[dstv.at[i]], add=True)
                return carry

            lax.fori_loop(0, steps, step, 0)
            plsc.subcore_barrier()
            pltpu.sync_copy(acc.at[pl.ds(row0, rpt)],
                            out.at[cid * nk + k, pl.ds(row0, rpt)])
            plsc.subcore_barrier()

    return seg(src3, dst3, zeros, *hs)


def _mlp_body(nk, n, x_refs, p_ref, w1_ref, b1_ref, w2_ref, b2_ref,
              h_ref, s_ref, q_ref):
    i = pl.program_id(0)
    h0 = jnp.concatenate(
        [x_refs[k][...] + p_ref[k] + p_ref[nk + k] for k in range(nk)],
        axis=1) if nk > 1 else x_refs[0][...] + p_ref[0] + p_ref[1]
    a = jnp.maximum(
        jnp.dot(h0, w1_ref[...], preferred_element_type=jnp.float32)
        + b1_ref[...], 0.0)
    h = (jnp.dot(a, w2_ref[...], preferred_element_type=jnp.float32)
         + b2_ref[...])
    h_ref[...] = h
    s = jnp.sum(h, axis=0, keepdims=True)
    q = jnp.sum(h * h, axis=0, keepdims=True)

    @pl.when(i == 0)
    def _():
        s_ref[...] = s
        q_ref[...] = q

    @pl.when(i > 0)
    def _():
        s_ref[...] += s
        q_ref[...] += q


def _mlp_call(xs, p, w1, b1, w2, b2):
    nk = len(xs)
    n = xs[0].shape[0]
    d = 128 * nk
    h = w1.shape[1]
    grid = (n // _R,)

    def body(*refs):
        _mlp_body(nk, n, refs[:nk], refs[nk], refs[nk + 1], refs[nk + 2],
                  refs[nk + 3], refs[nk + 4], refs[nk + 5], refs[nk + 6],
                  refs[nk + 7])

    return pl.pallas_call(
        body,
        grid=grid,
        in_specs=[pl.BlockSpec((_R, 128), lambda i: (i, 0))] * nk + [
            pl.BlockSpec((2 * nk, _R, 128), lambda i: (0, i, 0)),
            pl.BlockSpec((d, h), lambda i: (0, 0)),
            pl.BlockSpec((1, h), lambda i: (0, 0)),
            pl.BlockSpec((h, h), lambda i: (0, 0)),
            pl.BlockSpec((1, h), lambda i: (0, 0)),
        ],
        out_specs=[
            pl.BlockSpec((_R, h), lambda i: (i, 0)),
            pl.BlockSpec((1, h), lambda i: (0, 0)),
            pl.BlockSpec((1, h), lambda i: (0, 0)),
        ],
        out_shape=[
            jax.ShapeDtypeStruct((n, h), jnp.float32),
            jax.ShapeDtypeStruct((1, h), jnp.float32),
            jax.ShapeDtypeStruct((1, h), jnp.float32),
        ],
    )(*xs, p, w1, b1.reshape(1, h), w2, b2.reshape(1, h))


def _bn_chunk_call(hpre, s, q, g, be):
    n, h = hpre.shape
    nk = h // 128
    grid = (n // _R,)

    def body(h_ref, s_ref, q_ref, g_ref, be_ref, *outs):
        m = s_ref[...] / n
        v = q_ref[...] / n - m * m
        inv = lax.rsqrt(v + _EPS) * g_ref[...]
        hn = jnp.maximum((h_ref[...] - m) * inv + be_ref[...], 0.0)
        for k in range(nk):
            outs[k][...] = hn[:, k * 128:(k + 1) * 128]

    return pl.pallas_call(
        body,
        grid=grid,
        in_specs=[
            pl.BlockSpec((_R, h), lambda i: (i, 0)),
            pl.BlockSpec((1, h), lambda i: (0, 0)),
            pl.BlockSpec((1, h), lambda i: (0, 0)),
            pl.BlockSpec((1, h), lambda i: (0, 0)),
            pl.BlockSpec((1, h), lambda i: (0, 0)),
        ],
        out_specs=[pl.BlockSpec((_R, 128), lambda i: (i, 0))] * nk,
        out_shape=[jax.ShapeDtypeStruct((n, 128), jnp.float32)] * nk,
    )(hpre, s, q, g.reshape(1, h), be.reshape(1, h))


def _head_call(hpre, s, q, g, be, w5, b5, w6, b6):
    n, h = hpre.shape
    fc = w5.shape[1]
    out = w6.shape[1]
    grid = (n // _R,)

    def body(h_ref, s_ref, q_ref, g_ref, be_ref, w5_ref, b5_ref, w6_ref,
             b6_ref, o_ref):
        m = s_ref[...] / n
        v = q_ref[...] / n - m * m
        inv = lax.rsqrt(v + _EPS) * g_ref[...]
        hn = jnp.maximum((h_ref[...] - m) * inv + be_ref[...], 0.0)
        a = jnp.maximum(
            jnp.dot(hn, w5_ref[...], preferred_element_type=jnp.float32)
            + b5_ref[...], 0.0)
        o_ref[...] = (jnp.dot(a, w6_ref[...],
                              preferred_element_type=jnp.float32)
                      + b6_ref[...])

    return pl.pallas_call(
        body,
        grid=grid,
        in_specs=[
            pl.BlockSpec((_R, h), lambda i: (i, 0)),
            pl.BlockSpec((1, h), lambda i: (0, 0)),
            pl.BlockSpec((1, h), lambda i: (0, 0)),
            pl.BlockSpec((1, h), lambda i: (0, 0)),
            pl.BlockSpec((1, h), lambda i: (0, 0)),
            pl.BlockSpec((h, fc), lambda i: (0, 0)),
            pl.BlockSpec((1, fc), lambda i: (0, 0)),
            pl.BlockSpec((fc, out), lambda i: (0, 0)),
            pl.BlockSpec((1, out), lambda i: (0, 0)),
        ],
        out_specs=pl.BlockSpec((_R, out), lambda i: (i, 0)),
        out_shape=jax.ShapeDtypeStruct((n, out), jnp.float32),
    )(hpre, s, q, g.reshape(1, h), be.reshape(1, h), w5, b5.reshape(1, fc),
      w6, b6.reshape(1, out))


def kernel(x, edge_index, W1, b1, W2, b2, g1, be1, W3, b3, W4, b4, g2, be2,
           W5, b5, W6, b6):
    n = x.shape[0]
    e = edge_index.shape[1]
    steps = e // _NW // _K
    src3 = edge_index[0].astype(jnp.int32).reshape(_NW, steps, _K)
    dst3 = edge_index[1].astype(jnp.int32).reshape(_NW, steps, _K)

    p1 = _seg_sum_sc([x], src3, dst3, n)
    h1pre, s1, q1 = _mlp_call([x], p1, W1, b1, W2, b2)
    h1c = _bn_chunk_call(h1pre, s1, q1, g1, be1)

    p2 = _seg_sum_sc(h1c, src3, dst3, n)
    h2pre, s2, q2 = _mlp_call(h1c, p2, W3, b3, W4, b4)

    return _head_call(h2pre, s2, q2, g2, be2, W5, b5, W6, b6)

# --- scband reference (transcript-rebuilt; emitter-appended) ---
"""Pipeline reference for scband-gin-12189117186671 (READ-ONLY COPY).

The authoritative reference and input builder live on the scoring server;
editing this copy changes nothing except your own understanding.
"""

import jax, jax.numpy as jnp
import numpy as np

N = 10000
E = 320000
D = 128
H = 1024
FC = 512
OUT = 10


def setup_inputs(seed: int = 0) -> dict:
    key = jax.random.key(seed)
    ks = jax.random.split(key, 12)

    def w(k, shape):
        return (jax.random.normal(k, shape, dtype=jnp.float32) / np.sqrt(shape[0])).astype(jnp.float32)

    x = jax.random.normal(ks[0], (N, D), dtype=jnp.float32)
    edge_index = jax.random.randint(ks[1], (2, E), 0, N)

    inp = {
        'x': x,
        'edge_index': edge_index,
        # GConv1 MLP: Lin(D,1024), ReLU, Lin(1024,1024)
        'W1': w(ks[2], (D, H)), 'b1': jnp.zeros((H,), jnp.float32),
        'W2': w(ks[3], (H, H)), 'b2': jnp.zeros((H,), jnp.float32),
        'g1': jnp.ones((H,), jnp.float32), 'be1': jnp.zeros((H,), jnp.float32),
        # GConv2 MLP: Lin(1024,1024), ReLU, Lin(1024,1024)
        'W3': w(ks[4], (H, H)), 'b3': jnp.zeros((H,), jnp.float32),
        'W4': w(ks[5], (H, H)), 'b4': jnp.zeros((H,), jnp.float32),
        'g2': jnp.ones((H,), jnp.float32), 'be2': jnp.zeros((H,), jnp.float32),
        # fc: Lin(1024,512); fc1: Lin(512,OUT)
        'W5': w(ks[6], (H, FC)), 'b5': jnp.zeros((FC,), jnp.float32),
        'W6': w(ks[7], (FC, OUT)), 'b6': jnp.zeros((OUT,), jnp.float32),
    }
    return inp


def _gin_conv(x, src, dst, Wa, ba, Wb, bb):
    # PyG GINConv with default eps=0: out = MLP(x + sum_{j in N(i)} x_j)
    msgs = x[src]                                   # gather (SparseCore)
    agg = jax.ops.segment_sum(msgs, dst, num_segments=x.shape[0])  # scatter-add
    h = x + agg
    h = jax.nn.relu(h @ Wa + ba)
    h = h @ Wb + bb
    return h


def _batch_norm(h, g, b, eps=1e-5):
    m = jnp.mean(h, axis=0)
    v = jnp.var(h, axis=0)
    return (h - m) / jnp.sqrt(v + eps) * g + b


def reference(x, edge_index, W1, b1, W2, b2, g1, be1, W3, b3, W4, b4, g2, be2, W5, b5, W6, b6):
    src = edge_index[0]
    dst = edge_index[1]
    h = _gin_conv(x, src, dst, W1, b1, W2, b2)
    h = jax.nn.relu(_batch_norm(h, g1, be1))
    h = _gin_conv(h, src, dst, W3, b3, W4, b4)
    h = jax.nn.relu(_batch_norm(h, g2, be2))
    h = jax.nn.relu(h @ W5 + b5)
    # dropout(p=0.2) in eval mode: identity
    out = h @ W6 + b6
    return out

if __name__ == "__main__":
    import jax
    _d = setup_inputs()
    print(jax.jit(kernel)(*tuple(_d.values())))

</pallas_src>

<mosaic_0001>
#map = affine_map<(d0, d1) -> (0, 0, 0)>
#map1 = affine_map<(d0, d1) -> (0, 0)>
module attributes {stable_mosaic.version = 14 : i64} {
  func.func @seg(%arg0: i32, %arg1: i32, %arg2: memref<32x125x80xi32, #tpu.memory_space<hbm>>, %arg3: memref<32x125x80xi32, #tpu.memory_space<hbm>>, %arg4: memref<632x128xf32, #tpu.memory_space<hbm>>, %arg5: memref<10000x128xf32, #tpu.memory_space<hbm>>, %arg6: memref<2x10112x128xf32, #tpu.memory_space<hbm>>, %arg7: memref<125x80xi32, #tpu.memory_space<vmem>>, %arg8: memref<125x80xi32, #tpu.memory_space<vmem>>, %arg9: memref<80x128xf32, #tpu.memory_space<vmem>>, %arg10: memref<10112x128xf32, #tpu.memory_space<vmem_shared>>, %arg11: memref<!tpu.dma_semaphore, #tpu.memory_space<semaphore_mem>>) attributes {dimension_semantics = [#tpu.dimension_semantics<core_parallel>, #tpu.dimension_semantics<subcore_parallel>], iteration_bounds = array<i64: 2, 16>, scalar_prefetch = 0 : i64, scratch_operands = 5 : i64, tpu.core_type = #tpu.core_type<sc_vector_subcore>, window_params = [{transform_indices = #map}, {transform_indices = #map}, {transform_indices = #map1}, {transform_indices = #map1}, {transform_indices = #map}]} {
    %mul3A = arith.constant 2 : i32
    %mul3A_0 = arith.muli %arg1, %mul3A : i32
    %add3A = arith.addi %mul3A_0, %arg0 : i32
    %mul3A_1 = arith.constant 632 : i32
    %mul3A_2 = arith.muli %arg1, %mul3A_1 : i32
    "tpu.region"() ({
      %run_scoped3A = tpu.sem_alloc : memref<!tpu.dma_semaphore, #tpu.memory_space<semaphore_mem>>
      %dma_start3A = arith.constant 0 : i32
      %dma_start3A_14 = arith.constant 0 : i32
      %dma_start3A_15 = tpu.memref_slice %arg2[%add3A, %dma_start3A, %dma_start3A_14] : memref<32x125x80xi32, #tpu.memory_space<hbm>> -> memref<1x125x80xi32, #tpu.memory_space<hbm>>
      %dma_start3A_16 = tpu.memref_squeeze %dma_start3A_15 : memref<1x125x80xi32, #tpu.memory_space<hbm>> -> memref<125x80xi32, #tpu.memory_space<hbm>>
      %dma_start3A_17 = arith.constant 0 : i32
      %dma_start3A_18 = arith.constant 0 : i32
      %dma_start3A_19 = tpu.memref_slice %arg2[%add3A, %dma_start3A_17, %dma_start3A_18] : memref<32x125x80xi32, #tpu.memory_space<hbm>> -> memref<1x125x80xi32, #tpu.memory_space<hbm>>
      %dma_start3A_20 = tpu.memref_squeeze %dma_start3A_19 : memref<1x125x80xi32, #tpu.memory_space<hbm>> -> memref<125x80xi32, #tpu.memory_space<hbm>>
      tpu.enqueue_dma source(%dma_start3A_20 : memref<125x80xi32, #tpu.memory_space<hbm>>) target(%arg7 : memref<125x80xi32, #tpu.memory_space<vmem>>) target_semaphore(%run_scoped3A : memref<!tpu.dma_semaphore, #tpu.memory_space<semaphore_mem>>)
      %dma_wait3A = arith.constant 0 : i32
      %dma_wait3A_21 = arith.constant 0 : i32
      %dma_wait3A_22 = tpu.memref_slice %arg2[%add3A, %dma_wait3A, %dma_wait3A_21] : memref<32x125x80xi32, #tpu.memory_space<hbm>> -> memref<1x125x80xi32, #tpu.memory_space<hbm>>
      %dma_wait3A_23 = tpu.memref_squeeze %dma_wait3A_22 : memref<1x125x80xi32, #tpu.memory_space<hbm>> -> memref<125x80xi32, #tpu.memory_space<hbm>>
      %dma_wait3A_24 = arith.constant 0 : i32
      %dma_wait3A_25 = arith.constant 0 : i32
      %dma_wait3A_26 = tpu.memref_slice %arg2[%add3A, %dma_wait3A_24, %dma_wait3A_25] : memref<32x125x80xi32, #tpu.memory_space<hbm>> -> memref<1x125x80xi32, #tpu.memory_space<hbm>>
      %dma_wait3A_27 = tpu.memref_squeeze %dma_wait3A_26 : memref<1x125x80xi32, #tpu.memory_space<hbm>> -> memref<125x80xi32, #tpu.memory_space<hbm>>
      tpu.wait_dma2 semaphore(%run_scoped3A : memref<!tpu.dma_semaphore, #tpu.memory_space<semaphore_mem>>) src(%dma_wait3A_27 : memref<125x80xi32, #tpu.memory_space<hbm>>) dst(%arg7 : memref<125x80xi32, #tpu.memory_space<vmem>>)
      tpu.yield
    }) : () -> ()
    "tpu.region"() ({
      %run_scoped3A = tpu.sem_alloc : memref<!tpu.dma_semaphore, #tpu.memory_space<semaphore_mem>>
      %dma_start3A = arith.constant 0 : i32
      %dma_start3A_14 = arith.constant 0 : i32
      %dma_start3A_15 = tpu.memref_slice %arg3[%add3A, %dma_start3A, %dma_start3A_14] : memref<32x125x80xi32, #tpu.memory_space<hbm>> -> memref<1x125x80xi32, #tpu.memory_space<hbm>>
      %dma_start3A_16 = tpu.memref_squeeze %dma_start3A_15 : memref<1x125x80xi32, #tpu.memory_space<hbm>> -> memref<125x80xi32, #tpu.memory_space<hbm>>
      %dma_start3A_17 = arith.constant 0 : i32
      %dma_start3A_18 = arith.constant 0 : i32
      %dma_start3A_19 = tpu.memref_slice %arg3[%add3A, %dma_start3A_17, %dma_start3A_18] : memref<32x125x80xi32, #tpu.memory_space<hbm>> -> memref<1x125x80xi32, #tpu.memory_space<hbm>>
      %dma_start3A_20 = tpu.memref_squeeze %dma_start3A_19 : memref<1x125x80xi32, #tpu.memory_space<hbm>> -> memref<125x80xi32, #tpu.memory_space<hbm>>
      tpu.enqueue_dma source(%dma_start3A_20 : memref<125x80xi32, #tpu.memory_space<hbm>>) target(%arg8 : memref<125x80xi32, #tpu.memory_space<vmem>>) target_semaphore(%run_scoped3A : memref<!tpu.dma_semaphore, #tpu.memory_space<semaphore_mem>>)
      %dma_wait3A = arith.constant 0 : i32
      %dma_wait3A_21 = arith.constant 0 : i32
      %dma_wait3A_22 = tpu.memref_slice %arg3[%add3A, %dma_wait3A, %dma_wait3A_21] : memref<32x125x80xi32, #tpu.memory_space<hbm>> -> memref<1x125x80xi32, #tpu.memory_space<hbm>>
      %dma_wait3A_23 = tpu.memref_squeeze %dma_wait3A_22 : memref<1x125x80xi32, #tpu.memory_space<hbm>> -> memref<125x80xi32, #tpu.memory_space<hbm>>
      %dma_wait3A_24 = arith.constant 0 : i32
      %dma_wait3A_25 = arith.constant 0 : i32
      %dma_wait3A_26 = tpu.memref_slice %arg3[%add3A, %dma_wait3A_24, %dma_wait3A_25] : memref<32x125x80xi32, #tpu.memory_space<hbm>> -> memref<1x125x80xi32, #tpu.memory_space<hbm>>
      %dma_wait3A_27 = tpu.memref_squeeze %dma_wait3A_26 : memref<1x125x80xi32, #tpu.memory_space<hbm>> -> memref<125x80xi32, #tpu.memory_space<hbm>>
      tpu.wait_dma2 semaphore(%run_scoped3A : memref<!tpu.dma_semaphore, #tpu.memory_space<semaphore_mem>>) src(%dma_wait3A_27 : memref<125x80xi32, #tpu.memory_space<hbm>>) dst(%arg8 : memref<125x80xi32, #tpu.memory_space<vmem>>)
      tpu.yield
    }) : () -> ()
    "tpu.region"() ({
      %run_scoped3A = tpu.sem_alloc : memref<!tpu.dma_semaphore, #tpu.memory_space<semaphore_mem>>
      %dma_start3A = arith.constant 0 : i32
      %dma_start3A_14 = tpu.memref_slice %arg10[%mul3A_2, %dma_start3A] : memref<10112x128xf32, #tpu.memory_space<vmem_shared>> -> memref<632x128xf32, #tpu.memory_space<vmem_shared>>
      tpu.enqueue_dma source(%arg4 : memref<632x128xf32, #tpu.memory_space<hbm>>) target(%dma_start3A_14 : memref<632x128xf32, #tpu.memory_space<vmem_shared>>) target_semaphore(%run_scoped3A : memref<!tpu.dma_semaphore, #tpu.memory_space<semaphore_mem>>)
      %dma_wait3A = arith.constant 0 : i32
      %dma_wait3A_15 = tpu.memref_slice %arg10[%mul3A_2, %dma_wait3A] : memref<10112x128xf32, #tpu.memory_space<vmem_shared>> -> memref<632x128xf32, #tpu.memory_space<vmem_shared>>
      tpu.wait_dma2 semaphore(%run_scoped3A : memref<!tpu.dma_semaphore, #tpu.memory_space<semaphore_mem>>) src(%arg4 : memref<632x128xf32, #tpu.memory_space<hbm>>) dst(%dma_wait3A_15 : memref<632x128xf32, #tpu.memory_space<vmem_shared>>)
      tpu.yield
    }) : () -> ()
    %barrier3A = arith.constant 0 : index
    tpu.barrier barrier_id(%barrier3A)
    %scan3A = arith.constant 0 : i32
    %scan3A_3 = arith.constant 0 : i32
    %scan3A_4 = arith.constant 125 : i32
    %scan3A_5 = arith.addi %scan3A_3, %scan3A_4 : i32
    %scan3A_6 = arith.constant 1 : i32
    scf.for %scan3A_14 = %scan3A_3 to %scan3A_5 step %scan3A_6  : i32 {
      %dma_start3A = arith.constant 0 : i32
      %dma_start3A_15 = tpu.memref_slice %arg7[%scan3A_14, %dma_start3A] : memref<125x80xi32, #tpu.memory_space<vmem>> -> memref<1x80xi32, #tpu.memory_space<vmem>>
      %dma_start3A_16 = tpu.memref_squeeze %dma_start3A_15 : memref<1x80xi32, #tpu.memory_space<vmem>> -> memref<80xi32, #tpu.memory_space<vmem>>
      %dma_start3A_17 = arith.constant 0 : i32
      %dma_start3A_18 = arith.constant 0 : i32
      %dma_start3A_19 = tpu.memref_slice %arg5[%dma_start3A_17, %dma_start3A_18] : memref<10000x128xf32, #tpu.memory_space<hbm>> -> memref<10000x128xf32, #tpu.memory_space<hbm>>
      tpu.enqueue_indirect_dma source(%dma_start3A_19 : memref<10000x128xf32, #tpu.memory_space<hbm>>) target(%arg9 : memref<80x128xf32, #tpu.memory_space<vmem>>) offsets(%dma_start3A_16 : memref<80xi32, #tpu.memory_space<vmem>>) semaphore(%arg11 : memref<!tpu.dma_semaphore, #tpu.memory_space<semaphore_mem>>)
      %dma_wait3A = arith.constant 0 : i32
      %dma_wait3A_20 = tpu.memref_slice %arg7[%scan3A_14, %dma_wait3A] : memref<125x80xi32, #tpu.memory_space<vmem>> -> memref<1x80xi32, #tpu.memory_space<vmem>>
      %dma_wait3A_21 = tpu.memref_squeeze %dma_wait3A_20 : memref<1x80xi32, #tpu.memory_space<vmem>> -> memref<80xi32, #tpu.memory_space<vmem>>
      %dma_wait3A_22 = arith.constant 0 : i32
      %dma_wait3A_23 = arith.constant 0 : i32
      %dma_wait3A_24 = tpu.memref_slice %arg5[%dma_wait3A_22, %dma_wait3A_23] : memref<10000x128xf32, #tpu.memory_space<hbm>> -> memref<10000x128xf32, #tpu.memory_space<hbm>>
      tpu.wait_indirect_dma semaphore(%arg11 : memref<!tpu.dma_semaphore, #tpu.memory_space<semaphore_mem>>) src(%dma_wait3A_24 : memref<10000x128xf32, #tpu.memory_space<hbm>>) dst(%arg9 : memref<80x128xf32, #tpu.memory_space<vmem>>)
      "tpu.region"() ({
        %run_scoped3A = tpu.sem_alloc : memref<!tpu.dma_semaphore, #tpu.memory_space<semaphore_mem>>
        %dma_start3A_25 = arith.constant 0 : i32
        %dma_start3A_26 = tpu.memref_slice %arg8[%scan3A_14, %dma_start3A_25] : memref<125x80xi32, #tpu.memory_space<vmem>> -> memref<1x80xi32, #tpu.memory_space<vmem>>
        %dma_start3A_27 = tpu.memref_squeeze %dma_start3A_26 : memref<1x80xi32, #tpu.memory_space<vmem>> -> memref<80xi32, #tpu.memory_space<vmem>>
        %dma_start3A_28 = arith.constant 0 : i32
        %dma_start3A_29 = arith.constant 0 : i32
        %dma_start3A_30 = tpu.memref_slice %arg10[%dma_start3A_28, %dma_start3A_29] : memref<10112x128xf32, #tpu.memory_space<vmem_shared>> -> memref<10112x128xf32, #tpu.memory_space<vmem_shared>>
        tpu.enqueue_indirect_dma source(%arg9 : memref<80x128xf32, #tpu.memory_space<vmem>>) target(%dma_start3A_30 : memref<10112x128xf32, #tpu.memory_space<vmem_shared>>) offsets(%dma_start3A_27 : memref<80xi32, #tpu.memory_space<vmem>>) semaphore(%run_scoped3A : memref<!tpu.dma_semaphore, #tpu.memory_space<semaphore_mem>>) {add = true}
        %dma_wait3A_31 = arith.constant 0 : i32
        %dma_wait3A_32 = tpu.memref_slice %arg8[%scan3A_14, %dma_wait3A_31] : memref<125x80xi32, #tpu.memory_space<vmem>> -> memref<1x80xi32, #tpu.memory_space<vmem>>
        %dma_wait3A_33 = tpu.memref_squeeze %dma_wait3A_32 : memref<1x80xi32, #tpu.memory_space<vmem>> -> memref<80xi32, #tpu.memory_space<vmem>>
        %dma_wait3A_34 = arith.constant 0 : i32
        %dma_wait3A_35 = arith.constant 0 : i32
        %dma_wait3A_36 = tpu.memref_slice %arg10[%dma_wait3A_34, %dma_wait3A_35] : memref<10112x128xf32, #tpu.memory_space<vmem_shared>> -> memref<10112x128xf32, #tpu.memory_space<vmem_shared>>
        tpu.wait_indirect_dma semaphore(%run_scoped3A : memref<!tpu.dma_semaphore, #tpu.memory_space<semaphore_mem>>) src(%arg9 : memref<80x128xf32, #tpu.memory_space<vmem>>) dst(%dma_wait3A_36 : memref<10112x128xf32, #tpu.memory_space<vmem_shared>>)
        tpu.yield
      }) : () -> ()
    }
    %scan3A_7 = arith.constant 125 : i32
    %barrier3A_8 = arith.constant 0 : index
    tpu.barrier barrier_id(%barrier3A_8)
    %mul3A_9 = arith.constant 1 : i32
    %mul3A_10 = arith.muli %arg0, %mul3A_9 : i32
    %add3A_11 = arith.constant 0 : i32
    %add3A_12 = arith.addi %mul3A_10, %add3A_11 : i32
    "tpu.region"() ({
      %run_scoped3A = tpu.sem_alloc : memref<!tpu.dma_semaphore, #tpu.memory_space<semaphore_mem>>
      %dma_start3A = arith.constant 0 : i32
      %dma_start3A_14 = tpu.memref_slice %arg6[%add3A_12, %mul3A_2, %dma_start3A] : memref<2x10112x128xf32, #tpu.memory_space<hbm>> -> memref<1x632x128xf32, #tpu.memory_space<hbm>>
      %dma_start3A_15 = tpu.memref_squeeze %dma_start3A_14 : memref<1x632x128xf32, #tpu.memory_space<hbm>> -> memref<632x128xf32, #tpu.memory_space<hbm>>
      %dma_start3A_16 = arith.constant 0 : i32
      %dma_start3A_17 = tpu.memref_slice %arg10[%mul3A_2, %dma_start3A_16] : memref<10112x128xf32, #tpu.memory_space<vmem_shared>> -> memref<632x128xf32, #tpu.memory_space<vmem_shared>>
      tpu.enqueue_dma source(%dma_start3A_17 : memref<632x128xf32, #tpu.memory_space<vmem_shared>>) target(%dma_start3A_15 : memref<632x128xf32, #tpu.memory_space<hbm>>) target_semaphore(%run_scoped3A : memref<!tpu.dma_semaphore, #tpu.memory_space<semaphore_mem>>)
      %dma_wait3A = arith.constant 0 : i32
      %dma_wait3A_18 = tpu.memref_slice %arg6[%add3A_12, %mul3A_2, %dma_wait3A] : memref<2x10112x128xf32, #tpu.memory_space<hbm>> -> memref<1x632x128xf32, #tpu.memory_space<hbm>>
      %dma_wait3A_19 = tpu.memref_squeeze %dma_wait3A_18 : memref<1x632x128xf32, #tpu.memory_space<hbm>> -> memref<632x128xf32, #tpu.memory_space<hbm>>
      %dma_wait3A_20 = arith.constant 0 : i32
      %dma_wait3A_21 = tpu.memref_slice %arg10[%mul3A_2, %dma_wait3A_20] : memref<10112x128xf32, #tpu.memory_space<vmem_shared>> -> memref<632x128xf32, #tpu.memory_space<vmem_shared>>
      tpu.wait_dma2 semaphore(%run_scoped3A : memref<!tpu.dma_semaphore, #tpu.memory_space<semaphore_mem>>) src(%dma_wait3A_21 : memref<632x128xf32, #tpu.memory_space<vmem_shared>>) dst(%dma_wait3A_19 : memref<632x128xf32, #tpu.memory_space<hbm>>)
      tpu.yield
    }) : () -> ()
    %barrier3A_13 = arith.constant 0 : index
    tpu.barrier barrier_id(%barrier3A_13)
    return
  }
}

#map = affine_map<(d0, d1) -> (0, 0, 0)>
#map1 = affine_map<(d0, d1) -> (0, 0)>
module attributes {stable_mosaic.version = 14 : i64} {
  func.func @seg(%arg0: i32, %arg1: i32, %arg2: memref<32x125x80xi32, #tpu.memory_space<hbm>>, %arg3: memref<32x125x80xi32, #tpu.memory_space<hbm>>, %arg4: memref<632x128xf32, #tpu.memory_space<hbm>>, %arg5: memref<10000x128xf32, #tpu.memory_space<hbm>>, %arg6: memref<10000x128xf32, #tpu.memory_space<hbm>>, %arg7: memref<10000x128xf32, #tpu.memory_space<hbm>>, %arg8: memref<10000x128xf32, #tpu.memory_space<hbm>>, %arg9: memref<10000x128xf32, #tpu.memory_space<hbm>>, %arg10: memref<10000x128xf32, #tpu.memory_space<hbm>>, %arg11: memref<10000x128xf32, #tpu.memory_space<hbm>>, %arg12: memref<10000x128xf32, #tpu.memory_space<hbm>>, %arg13: memref<16x10112x128xf32, #tpu.memory_space<hbm>>, %arg14: memref<125x80xi32, #tpu.memory_space<vmem>>, %arg15: memref<125x80xi32, #tpu.memory_space<vmem>>, %arg16: memref<80x128xf32, #tpu.memory_space<vmem>>, %arg17: memref<10112x128xf32, #tpu.memory_space<vmem_shared>>, %arg18: memref<!tpu.dma_semaphore, #tpu.memory_space<semaphore_mem>>) attributes {dimension_semantics = [#tpu.dimension_semantics<core_parallel>, #tpu.dimension_semantics<subcore_parallel>], iteration_bounds = array<i64: 2, 16>, scalar_prefetch = 0 : i64, scratch_operands = 5 : i64, tpu.core_type = #tpu.core_type<sc_vector_subcore>, window_params = [{transform_indices = #map}, {transform_indices = #map}, {transform_indices = #map1}, {transform_indices = #map1}, {transform_indices = #map1}, {transform_indices = #map1}, {transform_indices = #map1}, {transform_indices = #map1}, {transform_indices = #map1}, {transform_indices = #map1}, {transform_indices = #map1}, {transform_indices = #map}]} {
    %mul3A = arith.constant 2 : i32
    %mul3A_0 = arith.muli %arg1, %mul3A : i32
    %add3A = arith.addi %mul3A_0, %arg0 : i32
    %mul3A_1 = arith.constant 632 : i32
    %mul3A_2 = arith.muli %arg1, %mul3A_1 : i32
    "tpu.region"() ({
      %run_scoped3A = tpu.sem_alloc : memref<!tpu.dma_semaphore, #tpu.memory_space<semaphore_mem>>
      %dma_start3A = arith.constant 0 : i32
      %dma_start3A_105 = arith.constant 0 : i32
      %dma_start3A_106 = tpu.memref_slice %arg2[%add3A, %dma_start3A, %dma_start3A_105] : memref<32x125x80xi32, #tpu.memory_space<hbm>> -> memref<1x125x80xi32, #tpu.memory_space<hbm>>
      %dma_start3A_107 = tpu.memref_squeeze %dma_start3A_106 : memref<1x125x80xi32, #tpu.memory_space<hbm>> -> memref<125x80xi32, #tpu.memory_space<hbm>>
      %dma_start3A_108 = arith.constant 0 : i32
      %dma_start3A_109 = arith.constant 0 : i32
      %dma_start3A_110 = tpu.memref_slice %arg2[%add3A, %dma_start3A_108, %dma_start3A_109] : memref<32x125x80xi32, #tpu.memory_space<hbm>> -> memref<1x125x80xi32, #tpu.memory_space<hbm>>
      %dma_start3A_111 = tpu.memref_squeeze %dma_start3A_110 : memref<1x125x80xi32, #tpu.memory_space<hbm>> -> memref<125x80xi32, #tpu.memory_space<hbm>>
      tpu.enqueue_dma source(%dma_start3A_111 : memref<125x80xi32, #tpu.memory_space<hbm>>) target(%arg14 : memref<125x80xi32, #tpu.memory_space<vmem>>) target_semaphore(%run_scoped3A : memref<!tpu.dma_semaphore, #tpu.memory_space<semaphore_mem>>)
      %dma_wait3A = arith.constant 0 : i32
      %dma_wait3A_112 = arith.constant 0 : i32
      %dma_wait3A_113 = tpu.memref_slice %arg2[%add3A, %dma_wait3A, %dma_wait3A_112] : memref<32x125x80xi32, #tpu.memory_space<hbm>> -> memref<1x125x80xi32, #tpu.memory_space<hbm>>
      %dma_wait3A_114 = tpu.memref_squeeze %dma_wait3A_113 : memref<1x125x80xi32, #tpu.memory_space<hbm>> -> memref<125x80xi32, #tpu.memory_space<hbm>>
      %dma_wait3A_115 = arith.constant 0 : i32
      %dma_wait3A_116 = arith.constant 0 : i32
      %dma_wait3A_117 = tpu.memref_slice %arg2[%add3A, %dma_wait3A_115, %dma_wait3A_116] : memref<32x125x80xi32, #tpu.memory_space<hbm>> -> memref<1x125x80xi32, #tpu.memory_space<hbm>>
      %dma_wait3A_118 = tpu.memref_squeeze %dma_wait3A_117 : memref<1x125x80xi32, #tpu.memory_space<hbm>> -> memref<125x80xi32, #tpu.memory_space<hbm>>
      tpu.wait_dma2 semaphore(%run_scoped3A : memref<!tpu.dma_semaphore, #tpu.memory_space<semaphore_mem>>) src(%dma_wait3A_118 : memref<125x80xi32, #tpu.memory_space<hbm>>) dst(%arg14 : memref<125x80xi32, #tpu.memory_space<vmem>>)
      tpu.yield
    }) : () -> ()
    "tpu.region"() ({
      %run_scoped3A = tpu.sem_alloc : memref<!tpu.dma_semaphore, #tpu.memory_space<semaphore_mem>>
      %dma_start3A = arith.constant 0 : i32
      %dma_start3A_105 = arith.constant 0 : i32
      %dma_start3A_106 = tpu.memref_slice %arg3[%add3A, %dma_start3A, %dma_start3A_105] : memref<32x125x80xi32, #tpu.memory_space<hbm>> -> memref<1x125x80xi32, #tpu.memory_space<hbm>>
      %dma_start3A_107 = tpu.memref_squeeze %dma_start3A_106 : memref<1x125x80xi32, #tpu.memory_space<hbm>> -> memref<125x80xi32, #tpu.memory_space<hbm>>
      %dma_start3A_108 = arith.constant 0 : i32
      %dma_start3A_109 = arith.constant 0 : i32
      %dma_start3A_110 = tpu.memref_slice %arg3[%add3A, %dma_start3A_108, %dma_start3A_109] : memref<32x125x80xi32, #tpu.memory_space<hbm>> -> memref<1x125x80xi32, #tpu.memory_space<hbm>>
      %dma_start3A_111 = tpu.memref_squeeze %dma_start3A_110 : memref<1x125x80xi32, #tpu.memory_space<hbm>> -> memref<125x80xi32, #tpu.memory_space<hbm>>
      tpu.enqueue_dma source(%dma_start3A_111 : memref<125x80xi32, #tpu.memory_space<hbm>>) target(%arg15 : memref<125x80xi32, #tpu.memory_space<vmem>>) target_semaphore(%run_scoped3A : memref<!tpu.dma_semaphore, #tpu.memory_space<semaphore_mem>>)
      %dma_wait3A = arith.constant 0 : i32
      %dma_wait3A_112 = arith.constant 0 : i32
      %dma_wait3A_113 = tpu.memref_slice %arg3[%add3A, %dma_wait3A, %dma_wait3A_112] : memref<32x125x80xi32, #tpu.memory_space<hbm>> -> memref<1x125x80xi32, #tpu.memory_space<hbm>>
      %dma_wait3A_114 = tpu.memref_squeeze %dma_wait3A_113 : memref<1x125x80xi32, #tpu.memory_space<hbm>> -> memref<125x80xi32, #tpu.memory_space<hbm>>
      %dma_wait3A_115 = arith.constant 0 : i32
      %dma_wait3A_116 = arith.constant 0 : i32
      %dma_wait3A_117 = tpu.memref_slice %arg3[%add3A, %dma_wait3A_115, %dma_wait3A_116] : memref<32x125x80xi32, #tpu.memory_space<hbm>> -> memref<1x125x80xi32, #tpu.memory_space<hbm>>
      %dma_wait3A_118 = tpu.memref_squeeze %dma_wait3A_117 : memref<1x125x80xi32, #tpu.memory_space<hbm>> -> memref<125x80xi32, #tpu.memory_space<hbm>>
      tpu.wait_dma2 semaphore(%run_scoped3A : memref<!tpu.dma_semaphore, #tpu.memory_space<semaphore_mem>>) src(%dma_wait3A_118 : memref<125x80xi32, #tpu.memory_space<hbm>>) dst(%arg15 : memref<125x80xi32, #tpu.memory_space<vmem>>)
      tpu.yield
    }) : () -> ()
    "tpu.region"() ({
      %run_scoped3A = tpu.sem_alloc : memref<!tpu.dma_semaphore, #tpu.memory_space<semaphore_mem>>
      %dma_start3A = arith.constant 0 : i32
      %dma_start3A_105 = tpu.memref_slice %arg17[%mul3A_2, %dma_start3A] : memref<10112x128xf32, #tpu.memory_space<vmem_shared>> -> memref<632x128xf32, #tpu.memory_space<vmem_shared>>
      tpu.enqueue_dma source(%arg4 : memref<632x128xf32, #tpu.memory_space<hbm>>) target(%dma_start3A_105 : memref<632x128xf32, #tpu.memory_space<vmem_shared>>) target_semaphore(%run_scoped3A : memref<!tpu.dma_semaphore, #tpu.memory_space<semaphore_mem>>)
      %dma_wait3A = arith.constant 0 : i32
      %dma_wait3A_106 = tpu.memref_slice %arg17[%mul3A_2, %dma_wait3A] : memref<10112x128xf32, #tpu.memory_space<vmem_shared>> -> memref<632x128xf32, #tpu.memory_space<vmem_shared>>
      tpu.wait_dma2 semaphore(%run_scoped3A : memref<!tpu.dma_semaphore, #tpu.memory_space<semaphore_mem>>) src(%arg4 : memref<632x128xf32, #tpu.memory_space<hbm>>) dst(%dma_wait3A_106 : memref<632x128xf32, #tpu.memory_space<vmem_shared>>)
      tpu.yield
    }) : () -> ()
    %barrier3A = arith.constant 0 : index
    tpu.barrier barrier_id(%barrier3A)
    %scan3A = arith.constant 0 : i32
    %scan3A_3 = arith.constant 0 : i32
    %scan3A_4 = arith.constant 125 : i32
    %scan3A_5 = arith.addi %scan3A_3, %scan3A_4 : i32
    %scan3A_6 = arith.constant 1 : i32
    scf.for %scan3A_105 = %scan3A_3 to %scan3A_5 step %scan3A_6  : i32 {
      %dma_start3A = arith.constant 0 : i32
      %dma_start3A_106 = tpu.memref_slice %arg14[%scan3A_105, %dma_start3A] : memref<125x80xi32, #tpu.memory_space<vmem>> -> memref<1x80xi32, #tpu.memory_space<vmem>>
      %dma_start3A_107 = tpu.memref_squeeze %dma_start3A_106 : memref<1x80xi32, #tpu.memory_space<vmem>> -> memref<80xi32, #tpu.memory_space<vmem>>
      %dma_start3A_108 = arith.constant 0 : i32
      %dma_start3A_109 = arith.constant 0 : i32
      %dma_start3A_110 = tpu.memref_slice %arg5[%dma_start3A_108, %dma_start3A_109] : memref<10000x128xf32, #tpu.memory_space<hbm>> -> memref<10000x128xf32, #tpu.memory_space<hbm>>
      tpu.enqueue_indirect_dma source(%dma_start3A_110 : memref<10000x128xf32, #tpu.memory_space<hbm>>) target(%arg16 : memref<80x128xf32, #tpu.memory_space<vmem>>) offsets(%dma_start3A_107 : memref<80xi32, #tpu.memory_space<vmem>>) semaphore(%arg18 : memref<!tpu.dma_semaphore, #tpu.memory_space<semaphore_mem>>)
      %dma_wait3A = arith.constant 0 : i32
      %dma_wait3A_111 = tpu.memref_slice %arg14[%scan3A_105, %dma_wait3A] : memref<125x80xi32, #tpu.memory_space<vmem>> -> memref<1x80xi32, #tpu.memory_space<vmem>>
      %dma_wait3A_112 = tpu.memref_squeeze %dma_wait3A_111 : memref<1x80xi32, #tpu.memory_space<vmem>> -> memref<80xi32, #tpu.memory_space<vmem>>
      %dma_wait3A_113 = arith.constant 0 : i32
      %dma_wait3A_114 = arith.constant 0 : i32
      %dma_wait3A_115 = tpu.memref_slice %arg5[%dma_wait3A_113, %dma_wait3A_114] : memref<10000x128xf32, #tpu.memory_space<hbm>> -> memref<10000x128xf32, #tpu.memory_space<hbm>>
      tpu.wait_indirect_dma semaphore(%arg18 : memref<!tpu.dma_semaphore, #tpu.memory_space<semaphore_mem>>) src(%dma_wait3A_115 : memref<10000x128xf32, #tpu.memory_space<hbm>>) dst(%arg16 : memref<80x128xf32, #tpu.memory_space<vmem>>)
      "tpu.region"() ({
        %run_scoped3A = tpu.sem_alloc : memref<!tpu.dma_semaphore, #tpu.memory_space<semaphore_mem>>
        %dma_start3A_116 = arith.constant 0 : i32
        %dma_start3A_117 = tpu.memref_slice %arg15[%scan3A_105, %dma_start3A_116] : memref<125x80xi32, #tpu.memory_space<vmem>> -> memref<1x80xi32, #tpu.memory_space<vmem>>
        %dma_start3A_118 = tpu.memref_squeeze %dma_start3A_117 : memref<1x80xi32, #tpu.memory_space<vmem>> -> memref<80xi32, #tpu.memory_space<vmem>>
        %dma_start3A_119 = arith.constant 0 : i32
        %dma_start3A_120 = arith.constant 0 : i32
        %dma_start3A_121 = tpu.memref_slice %arg17[%dma_start3A_119, %dma_start3A_120] : memref<10112x128xf32, #tpu.memory_space<vmem_shared>> -> memref<10112x128xf32, #tpu.memory_space<vmem_shared>>
        tpu.enqueue_indirect_dma source(%arg16 : memref<80x128xf32, #tpu.memory_space<vmem>>) target(%dma_start3A_121 : memref<10112x128xf32, #tpu.memory_space<vmem_shared>>) offsets(%dma_start3A_118 : memref<80xi32, #tpu.memory_space<vmem>>) semaphore(%run_scoped3A : memref<!tpu.dma_semaphore, #tpu.memory_space<semaphore_mem>>) {add = true}
        %dma_wait3A_122 = arith.constant 0 : i32
        %dma_wait3A_123 = tpu.memref_slice %arg15[%scan3A_105, %dma_wait3A_122] : memref<125x80xi32, #tpu.memory_space<vmem>> -> memref<1x80xi32, #tpu.memory_space<vmem>>
        %dma_wait3A_124 = tpu.memref_squeeze %dma_wait3A_123 : memref<1x80xi32, #tpu.memory_space<vmem>> -> memref<80xi32, #tpu.memory_space<vmem>>
        %dma_wait3A_125 = arith.constant 0 : i32
        %dma_wait3A_126 = arith.constant 0 : i32
        %dma_wait3A_127 = tpu.memref_slice %arg17[%dma_wait3A_125, %dma_wait3A_126] : memref<10112x128xf32, #tpu.memory_space<vmem_shared>> -> memref<10112x128xf32, #tpu.memory_space<vmem_shared>>
        tpu.wait_indirect_dma semaphore(%run_scoped3A : memref<!tpu.dma_semaphore, #tpu.memory_space<semaphore_mem>>) src(%arg16 : memref<80x128xf32, #tpu.memory_space<vmem>>) dst(%dma_wait3A_127 : memref<10112x128xf32, #tpu.memory_space<vmem_shared>>)
        tpu.yield
      }) : () -> ()
    }
    %scan3A_7 = arith.constant 125 : i32
    %barrier3A_8 = arith.constant 0 : index
    tpu.barrier barrier_id(%barrier3A_8)
    %mul3A_9 = arith.constant 8 : i32
    %mul3A_10 = arith.muli %arg0, %mul3A_9 : i32
    %add3A_11 = arith.constant 0 : i32
    %add3A_12 = arith.addi %mul3A_10, %add3A_11 : i32
    "tpu.region"() ({
      %run_scoped3A = tpu.sem_alloc : memref<!tpu.dma_semaphore, #tpu.memory_space<semaphore_mem>>
      %dma_start3A = arith.constant 0 : i32
      %dma_start3A_105 = tpu.memref_slice %arg13[%add3A_12, %mul3A_2, %dma_start3A] : memref<16x10112x128xf32, #tpu.memory_space<hbm>> -> memref<1x632x128xf32, #tpu.memory_space<hbm>>
      %dma_start3A_106 = tpu.memref_squeeze %dma_start3A_105 : memref<1x632x128xf32, #tpu.memory_space<hbm>> -> memref<632x128xf32, #tpu.memory_space<hbm>>
      %dma_start3A_107 = arith.constant 0 : i32
      %dma_start3A_108 = tpu.memref_slice %arg17[%mul3A_2, %dma_start3A_107] : memref<10112x128xf32, #tpu.memory_space<vmem_shared>> -> memref<632x128xf32, #tpu.memory_space<vmem_shared>>
      tpu.enqueue_dma source(%dma_start3A_108 : memref<632x128xf32, #tpu.memory_space<vmem_shared>>) target(%dma_start3A_106 : memref<632x128xf32, #tpu.memory_space<hbm>>) target_semaphore(%run_scoped3A : memref<!tpu.dma_semaphore, #tpu.memory_space<semaphore_mem>>)
      %dma_wait3A = arith.constant 0 : i32
      %dma_wait3A_109 = tpu.memref_slice %arg13[%add3A_12, %mul3A_2, %dma_wait3A] : memref<16x10112x128xf32, #tpu.memory_space<hbm>> -> memref<1x632x128xf32, #tpu.memory_space<hbm>>
      %dma_wait3A_110 = tpu.memref_squeeze %dma_wait3A_109 : memref<1x632x128xf32, #tpu.memory_space<hbm>> -> memref<632x128xf32, #tpu.memory_space<hbm>>
      %dma_wait3A_111 = arith.constant 0 : i32
      %dma_wait3A_112 = tpu.memref_slice %arg17[%mul3A_2, %dma_wait3A_111] : memref<10112x128xf32, #tpu.memory_space<vmem_shared>> -> memref<632x128xf32, #tpu.memory_space<vmem_shared>>
      tpu.wait_dma2 semaphore(%run_scoped3A : memref<!tpu.dma_semaphore, #tpu.memory_space<semaphore_mem>>) src(%dma_wait3A_112 : memref<632x128xf32, #tpu.memory_space<vmem_shared>>) dst(%dma_wait3A_110 : memref<632x128xf32, #tpu.memory_space<hbm>>)
      tpu.yield
    }) : () -> ()
    %barrier3A_13 = arith.constant 0 : index
    tpu.barrier barrier_id(%barrier3A_13)
    "tpu.region"() ({
      %run_scoped3A = tpu.sem_alloc : memref<!tpu.dma_semaphore, #tpu.memory_space<semaphore_mem>>
      %dma_start3A = arith.constant 0 : i32
      %dma_start3A_105 = tpu.memref_slice %arg17[%mul3A_2, %dma_start3A] : memref<10112x128xf32, #tpu.memory_space<vmem_shared>> -> memref<632x128xf32, #tpu.memory_space<vmem_shared>>
      tpu.enqueue_dma source(%arg4 : memref<632x128xf32, #tpu.memory_space<hbm>>) target(%dma_start3A_105 : memref<632x128xf32, #tpu.memory_space<vmem_shared>>) target_semaphore(%run_scoped3A : memref<!tpu.dma_semaphore, #tpu.memory_space<semaphore_mem>>)
      %dma_wait3A = arith.constant 0 : i32
      %dma_wait3A_106 = tpu.memref_slice %arg17[%mul3A_2, %dma_wait3A] : memref<10112x128xf32, #tpu.memory_space<vmem_shared>> -> memref<632x128xf32, #tpu.memory_space<vmem_shared>>
      tpu.wait_dma2 semaphore(%run_scoped3A : memref<!tpu.dma_semaphore, #tpu.memory_space<semaphore_mem>>) src(%arg4 : memref<632x128xf32, #tpu.memory_space<hbm>>) dst(%dma_wait3A_106 : memref<632x128xf32, #tpu.memory_space<vmem_shared>>)
      tpu.yield
    }) : () -> ()
    %barrier3A_14 = arith.constant 0 : index
    tpu.barrier barrier_id(%barrier3A_14)
    %scan3A_15 = arith.constant 0 : i32
    %scan3A_16 = arith.constant 0 : i32
    %scan3A_17 = arith.constant 125 : i32
    %scan3A_18 = arith.addi %scan3A_16, %scan3A_17 : i32
    %scan3A_19 = arith.constant 1 : i32
    scf.for %scan3A_105 = %scan3A_16 to %scan3A_18 step %scan3A_19  : i32 {
      %dma_start3A = arith.constant 0 : i32
      %dma_start3A_106 = tpu.memref_slice %arg14[%scan3A_105, %dma_start3A] : memref<125x80xi32, #tpu.memory_space<vmem>> -> memref<1x80xi32, #tpu.memory_space<vmem>>
      %dma_start3A_107 = tpu.memref_squeeze %dma_start3A_106 : memref<1x80xi32, #tpu.memory_space<vmem>> -> memref<80xi32, #tpu.memory_space<vmem>>
      %dma_start3A_108 = arith.constant 0 : i32
      %dma_start3A_109 = arith.constant 0 : i32
      %dma_start3A_110 = tpu.memref_slice %arg6[%dma_start3A_108, %dma_start3A_109] : memref<10000x128xf32, #tpu.memory_space<hbm>> -> memref<10000x128xf32, #tpu.memory_space<hbm>>
      tpu.enqueue_indirect_dma source(%dma_start3A_110 : memref<10000x128xf32, #tpu.memory_space<hbm>>) target(%arg16 : memref<80x128xf32, #tpu.memory_space<vmem>>) offsets(%dma_start3A_107 : memref<80xi32, #tpu.memory_space<vmem>>) semaphore(%arg18 : memref<!tpu.dma_semaphore, #tpu.memory_space<semaphore_mem>>)
      %dma_wait3A = arith.constant 0 : i32
      %dma_wait3A_111 = tpu.memref_slice %arg14[%scan3A_105, %dma_wait3A] : memref<125x80xi32, #tpu.memory_space<vmem>> -> memref<1x80xi32, #tpu.memory_space<vmem>>
      %dma_wait3A_112 = tpu.memref_squeeze %dma_wait3A_111 : memref<1x80xi32, #tpu.memory_space<vmem>> -> memref<80xi32, #tpu.memory_space<vmem>>
      %dma_wait3A_113 = arith.constant 0 : i32
      %dma_wait3A_114 = arith.constant 0 : i32
      %dma_wait3A_115 = tpu.memref_slice %arg6[%dma_wait3A_113, %dma_wait3A_114] : memref<10000x128xf32, #tpu.memory_space<hbm>> -> memref<10000x128xf32, #tpu.memory_space<hbm>>
      tpu.wait_indirect_dma semaphore(%arg18 : memref<!tpu.dma_semaphore, #tpu.memory_space<semaphore_mem>>) src(%dma_wait3A_115 : memref<10000x128xf32, #tpu.memory_space<hbm>>) dst(%arg16 : memref<80x128xf32, #tpu.memory_space<vmem>>)
      "tpu.region"() ({
        %run_scoped3A = tpu.sem_alloc : memref<!tpu.dma_semaphore, #tpu.memory_space<semaphore_mem>>
        %dma_start3A_116 = arith.constant 0 : i32
        %dma_start3A_117 = tpu.memref_slice %arg15[%scan3A_105, %dma_start3A_116] : memref<125x80xi32, #tpu.memory_space<vmem>> -> memref<1x80xi32, #tpu.memory_space<vmem>>
        %dma_start3A_118 = tpu.memref_squeeze %dma_start3A_117 : memref<1x80xi32, #tpu.memory_space<vmem>> -> memref<80xi32, #tpu.memory_space<vmem>>
        %dma_start3A_119 = arith.constant 0 : i32
        %dma_start3A_120 = arith.constant 0 : i32
        %dma_start3A_121 = tpu.memref_slice %arg17[%dma_start3A_119, %dma_start3A_120] : memref<10112x128xf32, #tpu.memory_space<vmem_shared>> -> memref<10112x128xf32, #tpu.memory_space<vmem_shared>>
        tpu.enqueue_indirect_dma source(%arg16 : memref<80x128xf32, #tpu.memory_space<vmem>>) target(%dma_start3A_121 : memref<10112x128xf32, #tpu.memory_space<vmem_shared>>) offsets(%dma_start3A_118 : memref<80xi32, #tpu.memory_space<vmem>>) semaphore(%run_scoped3A : memref<!tpu.dma_semaphore, #tpu.memory_space<semaphore_mem>>) {add = true}
        %dma_wait3A_122 = arith.constant 0 : i32
        %dma_wait3A_123 = tpu.memref_slice %arg15[%scan3A_105, %dma_wait3A_122] : memref<125x80xi32, #tpu.memory_space<vmem>> -> memref<1x80xi32, #tpu.memory_space<vmem>>
        %dma_wait3A_124 = tpu.memref_squeeze %dma_wait3A_123 : memref<1x80xi32, #tpu.memory_space<vmem>> -> memref<80xi32, #tpu.memory_space<vmem>>
        %dma_wait3A_125 = arith.constant 0 : i32
        %dma_wait3A_126 = arith.constant 0 : i32
        %dma_wait3A_127 = tpu.memref_slice %arg17[%dma_wait3A_125, %dma_wait3A_126] : memref<10112x128xf32, #tpu.memory_space<vmem_shared>> -> memref<10112x128xf32, #tpu.memory_space<vmem_shared>>
        tpu.wait_indirect_dma semaphore(%run_scoped3A : memref<!tpu.dma_semaphore, #tpu.memory_space<semaphore_mem>>) src(%arg16 : memref<80x128xf32, #tpu.memory_space<vmem>>) dst(%dma_wait3A_127 : memref<10112x128xf32, #tpu.memory_space<vmem_shared>>)
        tpu.yield
      }) : () -> ()
    }
    %scan3A_20 = arith.constant 125 : i32
    %barrier3A_21 = arith.constant 0 : index
    tpu.barrier barrier_id(%barrier3A_21)
    %mul3A_22 = arith.constant 8 : i32
    %mul3A_23 = arith.muli %arg0, %mul3A_22 : i32
    %add3A_24 = arith.constant 1 : i32
    %add3A_25 = arith.addi %mul3A_23, %add3A_24 : i32
    "tpu.region"() ({
      %run_scoped3A = tpu.sem_alloc : memref<!tpu.dma_semaphore, #tpu.memory_space<semaphore_mem>>
      %dma_start3A = arith.constant 0 : i32
      %dma_start3A_105 = tpu.memref_slice %arg13[%add3A_25, %mul3A_2, %dma_start3A] : memref<16x10112x128xf32, #tpu.memory_space<hbm>> -> memref<1x632x128xf32, #tpu.memory_space<hbm>>
      %dma_start3A_106 = tpu.memref_squeeze %dma_start3A_105 : memref<1x632x128xf32, #tpu.memory_space<hbm>> -> memref<632x128xf32, #tpu.memory_space<hbm>>
      %dma_start3A_107 = arith.constant 0 : i32
      %dma_start3A_108 = tpu.memref_slice %arg17[%mul3A_2, %dma_start3A_107] : memref<10112x128xf32, #tpu.memory_space<vmem_shared>> -> memref<632x128xf32, #tpu.memory_space<vmem_shared>>
      tpu.enqueue_dma source(%dma_start3A_108 : memref<632x128xf32, #tpu.memory_space<vmem_shared>>) target(%dma_start3A_106 : memref<632x128xf32, #tpu.memory_space<hbm>>) target_semaphore(%run_scoped3A : memref<!tpu.dma_semaphore, #tpu.memory_space<semaphore_mem>>)
      %dma_wait3A = arith.constant 0 : i32
      %dma_wait3A_109 = tpu.memref_slice %arg13[%add3A_25, %mul3A_2, %dma_wait3A] : memref<16x10112x128xf32, #tpu.memory_space<hbm>> -> memref<1x632x128xf32, #tpu.memory_space<hbm>>
      %dma_wait3A_110 = tpu.memref_squeeze %dma_wait3A_109 : memref<1x632x128xf32, #tpu.memory_space<hbm>> -> memref<632x128xf32, #tpu.memory_space<hbm>>
      %dma_wait3A_111 = arith.constant 0 : i32
      %dma_wait3A_112 = tpu.memref_slice %arg17[%mul3A_2, %dma_wait3A_111] : memref<10112x128xf32, #tpu.memory_space<vmem_shared>> -> memref<632x128xf32, #tpu.memory_space<vmem_shared>>
      tpu.wait_dma2 semaphore(%run_scoped3A : memref<!tpu.dma_semaphore, #tpu.memory_space<semaphore_mem>>) src(%dma_wait3A_112 : memref<632x128xf32, #tpu.memory_space<vmem_shared>>) dst(%dma_wait3A_110 : memref<632x128xf32, #tpu.memory_space<hbm>>)
      tpu.yield
    }) : () -> ()
    %barrier3A_26 = arith.constant 0 : index
    tpu.barrier barrier_id(%barrier3A_26)
    "tpu.region"() ({
      %run_scoped3A = tpu.sem_alloc : memref<!tpu.dma_semaphore, #tpu.memory_space<semaphore_mem>>
      %dma_start3A = arith.constant 0 : i32
      %dma_start3A_105 = tpu.memref_slice %arg17[%mul3A_2, %dma_start3A] : memref<10112x128xf32, #tpu.memory_space<vmem_shared>> -> memref<632x128xf32, #tpu.memory_space<vmem_shared>>
      tpu.enqueue_dma source(%arg4 : memref<632x128xf32, #tpu.memory_space<hbm>>) target(%dma_start3A_105 : memref<632x128xf32, #tpu.memory_space<vmem_shared>>) target_semaphore(%run_scoped3A : memref<!tpu.dma_semaphore, #tpu.memory_space<semaphore_mem>>)
      %dma_wait3A = arith.constant 0 : i32
      %dma_wait3A_106 = tpu.memref_slice %arg17[%mul3A_2, %dma_wait3A] : memref<10112x128xf32, #tpu.memory_space<vmem_shared>> -> memref<632x128xf32, #tpu.memory_space<vmem_shared>>
      tpu.wait_dma2 semaphore(%run_scoped3A : memref<!tpu.dma_semaphore, #tpu.memory_space<semaphore_mem>>) src(%arg4 : memref<632x128xf32, #tpu.memory_space<hbm>>) dst(%dma_wait3A_106 : memref<632x128xf32, #tpu.memory_space<vmem_shared>>)
      tpu.yield
    }) : () -> ()
    %barrier3A_27 = arith.constant 0 : index
    tpu.barrier barrier_id(%barrier3A_27)
    %scan3A_28 = arith.constant 0 : i32
    %scan3A_29 = arith.constant 0 : i32
    %scan3A_30 = arith.constant 125 : i32
    %scan3A_31 = arith.addi %scan3A_29, %scan3A_30 : i32
    %scan3A_32 = arith.constant 1 : i32
    scf.for %scan3A_105 = %scan3A_29 to %scan3A_31 step %scan3A_32  : i32 {
      %dma_start3A = arith.constant 0 : i32
      %dma_start3A_106 = tpu.memref_slice %arg14[%scan3A_105, %dma_start3A] : memref<125x80xi32, #tpu.memory_space<vmem>> -> memref<1x80xi32, #tpu.memory_space<vmem>>
      %dma_start3A_107 = tpu.memref_squeeze %dma_start3A_106 : memref<1x80xi32, #tpu.memory_space<vmem>> -> memref<80xi32, #tpu.memory_space<vmem>>
      %dma_start3A_108 = arith.constant 0 : i32
      %dma_start3A_109 = arith.constant 0 : i32
      %dma_start3A_110 = tpu.memref_slice %arg7[%dma_start3A_108, %dma_start3A_109] : memref<10000x128xf32, #tpu.memory_space<hbm>> -> memref<10000x128xf32, #tpu.memory_space<hbm>>
      tpu.enqueue_indirect_dma source(%dma_start3A_110 : memref<10000x128xf32, #tpu.memory_space<hbm>>) target(%arg16 : memref<80x128xf32, #tpu.memory_space<vmem>>) offsets(%dma_start3A_107 : memref<80xi32, #tpu.memory_space<vmem>>) semaphore(%arg18 : memref<!tpu.dma_semaphore, #tpu.memory_space<semaphore_mem>>)
      %dma_wait3A = arith.constant 0 : i32
      %dma_wait3A_111 = tpu.memref_slice %arg14[%scan3A_105, %dma_wait3A] : memref<125x80xi32, #tpu.memory_space<vmem>> -> memref<1x80xi32, #tpu.memory_space<vmem>>
      %dma_wait3A_112 = tpu.memref_squeeze %dma_wait3A_111 : memref<1x80xi32, #tpu.memory_space<vmem>> -> memref<80xi32, #tpu.memory_space<vmem>>
      %dma_wait3A_113 = arith.constant 0 : i32
      %dma_wait3A_114 = arith.constant 0 : i32
      %dma_wait3A_115 = tpu.memref_slice %arg7[%dma_wait3A_113, %dma_wait3A_114] : memref<10000x128xf32, #tpu.memory_space<hbm>> -> memref<10000x128xf32, #tpu.memory_space<hbm>>
      tpu.wait_indirect_dma semaphore(%arg18 : memref<!tpu.dma_semaphore, #tpu.memory_space<semaphore_mem>>) src(%dma_wait3A_115 : memref<10000x128xf32, #tpu.memory_space<hbm>>) dst(%arg16 : memref<80x128xf32, #tpu.memory_space<vmem>>)
      "tpu.region"() ({
        %run_scoped3A = tpu.sem_alloc : memref<!tpu.dma_semaphore, #tpu.memory_space<semaphore_mem>>
        %dma_start3A_116 = arith.constant 0 : i32
        %dma_start3A_117 = tpu.memref_slice %arg15[%scan3A_105, %dma_start3A_116] : memref<125x80xi32, #tpu.memory_space<vmem>> -> memref<1x80xi32, #tpu.memory_space<vmem>>
        %dma_start3A_118 = tpu.memref_squeeze %dma_start3A_117 : memref<1x80xi32, #tpu.memory_space<vmem>> -> memref<80xi32, #tpu.memory_space<vmem>>
        %dma_start3A_119 = arith.constant 0 : i32
        %dma_start3A_120 = arith.constant 0 : i32
        %dma_start3A_121 = tpu.memref_slice %arg17[%dma_start3A_119, %dma_start3A_120] : memref<10112x128xf32, #tpu.memory_space<vmem_shared>> -> memref<10112x128xf32, #tpu.memory_space<vmem_shared>>
        tpu.enqueue_indirect_dma source(%arg16 : memref<80x128xf32, #tpu.memory_space<vmem>>) target(%dma_start3A_121 : memref<10112x128xf32, #tpu.memory_space<vmem_shared>>) offsets(%dma_start3A_118 : memref<80xi32, #tpu.memory_space<vmem>>) semaphore(%run_scoped3A : memref<!tpu.dma_semaphore, #tpu.memory_space<semaphore_mem>>) {add = true}
        %dma_wait3A_122 = arith.constant 0 : i32
        %dma_wait3A_123 = tpu.memref_slice %arg15[%scan3A_105, %dma_wait3A_122] : memref<125x80xi32, #tpu.memory_space<vmem>> -> memref<1x80xi32, #tpu.memory_space<vmem>>
        %dma_wait3A_124 = tpu.memref_squeeze %dma_wait3A_123 : memref<1x80xi32, #tpu.memory_space<vmem>> -> memref<80xi32, #tpu.memory_space<vmem>>
        %dma_wait3A_125 = arith.constant 0 : i32
        %dma_wait3A_126 = arith.constant 0 : i32
        %dma_wait3A_127 = tpu.memref_slice %arg17[%dma_wait3A_125, %dma_wait3A_126] : memref<10112x128xf32, #tpu.memory_space<vmem_shared>> -> memref<10112x128xf32, #tpu.memory_space<vmem_shared>>
        tpu.wait_indirect_dma semaphore(%run_scoped3A : memref<!tpu.dma_semaphore, #tpu.memory_space<semaphore_mem>>) src(%arg16 : memref<80x128xf32, #tpu.memory_space<vmem>>) dst(%dma_wait3A_127 : memref<10112x128xf32, #tpu.memory_space<vmem_shared>>)
        tpu.yield
      }) : () -> ()
    }
    %scan3A_33 = arith.constant 125 : i32
    %barrier3A_34 = arith.constant 0 : index
    tpu.barrier barrier_id(%barrier3A_34)
    %mul3A_35 = arith.constant 8 : i32
    %mul3A_36 = arith.muli %arg0, %mul3A_35 : i32
    %add3A_37 = arith.constant 2 : i32
    %add3A_38 = arith.addi %mul3A_36, %add3A_37 : i32
    "tpu.region"() ({
      %run_scoped3A = tpu.sem_alloc : memref<!tpu.dma_semaphore, #tpu.memory_space<semaphore_mem>>
      %dma_start3A = arith.constant 0 : i32
      %dma_start3A_105 = tpu.memref_slice %arg13[%add3A_38, %mul3A_2, %dma_start3A] : memref<16x10112x128xf32, #tpu.memory_space<hbm>> -> memref<1x632x128xf32, #tpu.memory_space<hbm>>
      %dma_start3A_106 = tpu.memref_squeeze %dma_start3A_105 : memref<1x632x128xf32, #tpu.memory_space<hbm>> -> memref<632x128xf32, #tpu.memory_space<hbm>>
      %dma_start3A_107 = arith.constant 0 : i32
      %dma_start3A_108 = tpu.memref_slice %arg17[%mul3A_2, %dma_start3A_107] : memref<10112x128xf32, #tpu.memory_space<vmem_shared>> -> memref<632x128xf32, #tpu.memory_space<vmem_shared>>
      tpu.enqueue_dma source(%dma_start3A_108 : memref<632x128xf32, #tpu.memory_space<vmem_shared>>) target(%dma_start3A_106 : memref<632x128xf32, #tpu.memory_space<hbm>>) target_semaphore(%run_scoped3A : memref<!tpu.dma_semaphore, #tpu.memory_space<semaphore_mem>>)
      %dma_wait3A = arith.constant 0 : i32
      %dma_wait3A_109 = tpu.memref_slice %arg13[%add3A_38, %mul3A_2, %dma_wait3A] : memref<16x10112x128xf32, #tpu.memory_space<hbm>> -> memref<1x632x128xf32, #tpu.memory_space<hbm>>
      %dma_wait3A_110 = tpu.memref_squeeze %dma_wait3A_109 : memref<1x632x128xf32, #tpu.memory_space<hbm>> -> memref<632x128xf32, #tpu.memory_space<hbm>>
      %dma_wait3A_111 = arith.constant 0 : i32
      %dma_wait3A_112 = tpu.memref_slice %arg17[%mul3A_2, %dma_wait3A_111] : memref<10112x128xf32, #tpu.memory_space<vmem_shared>> -> memref<632x128xf32, #tpu.memory_space<vmem_shared>>
      tpu.wait_dma2 semaphore(%run_scoped3A : memref<!tpu.dma_semaphore, #tpu.memory_space<semaphore_mem>>) src(%dma_wait3A_112 : memref<632x128xf32, #tpu.memory_space<vmem_shared>>) dst(%dma_wait3A_110 : memref<632x128xf32, #tpu.memory_space<hbm>>)
      tpu.yield
    }) : () -> ()
    %barrier3A_39 = arith.constant 0 : index
    tpu.barrier barrier_id(%barrier3A_39)
    "tpu.region"() ({
      %run_scoped3A = tpu.sem_alloc : memref<!tpu.dma_semaphore, #tpu.memory_space<semaphore_mem>>
      %dma_start3A = arith.constant 0 : i32
      %dma_start3A_105 = tpu.memref_slice %arg17[%mul3A_2, %dma_start3A] : memref<10112x128xf32, #tpu.memory_space<vmem_shared>> -> memref<632x128xf32, #tpu.memory_space<vmem_shared>>
      tpu.enqueue_dma source(%arg4 : memref<632x128xf32, #tpu.memory_space<hbm>>) target(%dma_start3A_105 : memref<632x128xf32, #tpu.memory_space<vmem_shared>>) target_semaphore(%run_scoped3A : memref<!tpu.dma_semaphore, #tpu.memory_space<semaphore_mem>>)
      %dma_wait3A = arith.constant 0 : i32
      %dma_wait3A_106 = tpu.memref_slice %arg17[%mul3A_2, %dma_wait3A] : memref<10112x128xf32, #tpu.memory_space<vmem_shared>> -> memref<632x128xf32, #tpu.memory_space<vmem_shared>>
      tpu.wait_dma2 semaphore(%run_scoped3A : memref<!tpu.dma_semaphore, #tpu.memory_space<semaphore_mem>>) src(%arg4 : memref<632x128xf32, #tpu.memory_space<hbm>>) dst(%dma_wait3A_106 : memref<632x128xf32, #tpu.memory_space<vmem_shared>>)
      tpu.yield
    }) : () -> ()
    %barrier3A_40 = arith.constant 0 : index
    tpu.barrier barrier_id(%barrier3A_40)
    %scan3A_41 = arith.constant 0 : i32
    %scan3A_42 = arith.constant 0 : i32
    %scan3A_43 = arith.constant 125 : i32
    %scan3A_44 = arith.addi %scan3A_42, %scan3A_43 : i32
    %scan3A_45 = arith.constant 1 : i32
    scf.for %scan3A_105 = %scan3A_42 to %scan3A_44 step %scan3A_45  : i32 {
      %dma_start3A = arith.constant 0 : i32
      %dma_start3A_106 = tpu.memref_slice %arg14[%scan3A_105, %dma_start3A] : memref<125x80xi32, #tpu.memory_space<vmem>> -> memref<1x80xi32, #tpu.memory_space<vmem>>
      %dma_start3A_107 = tpu.memref_squeeze %dma_start3A_106 : memref<1x80xi32, #tpu.memory_space<vmem>> -> memref<80xi32, #tpu.memory_space<vmem>>
      %dma_start3A_108 = arith.constant 0 : i32
      %dma_start3A_109 = arith.constant 0 : i32
      %dma_start3A_110 = tpu.memref_slice %arg8[%dma_start3A_108, %dma_start3A_109] : memref<10000x128xf32, #tpu.memory_space<hbm>> -> memref<10000x128xf32, #tpu.memory_space<hbm>>
      tpu.enqueue_indirect_dma source(%dma_start3A_110 : memref<10000x128xf32, #tpu.memory_space<hbm>>) target(%arg16 : memref<80x128xf32, #tpu.memory_space<vmem>>) offsets(%dma_start3A_107 : memref<80xi32, #tpu.memory_space<vmem>>) semaphore(%arg18 : memref<!tpu.dma_semaphore, #tpu.memory_space<semaphore_mem>>)
      %dma_wait3A = arith.constant 0 : i32
      %dma_wait3A_111 = tpu.memref_slice %arg14[%scan3A_105, %dma_wait3A] : memref<125x80xi32, #tpu.memory_space<vmem>> -> memref<1x80xi32, #tpu.memory_space<vmem>>
      %dma_wait3A_112 = tpu.memref_squeeze %dma_wait3A_111 : memref<1x80xi32, #tpu.memory_space<vmem>> -> memref<80xi32, #tpu.memory_space<vmem>>
      %dma_wait3A_113 = arith.constant 0 : i32
      %dma_wait3A_114 = arith.constant 0 : i32
      %dma_wait3A_115 = tpu.memref_slice %arg8[%dma_wait3A_113, %dma_wait3A_114] : memref<10000x128xf32, #tpu.memory_space<hbm>> -> memref<10000x128xf32, #tpu.memory_space<hbm>>
      tpu.wait_indirect_dma semaphore(%arg18 : memref<!tpu.dma_semaphore, #tpu.memory_space<semaphore_mem>>) src(%dma_wait3A_115 : memref<10000x128xf32, #tpu.memory_space<hbm>>) dst(%arg16 : memref<80x128xf32, #tpu.memory_space<vmem>>)
      "tpu.region"() ({
        %run_scoped3A = tpu.sem_alloc : memref<!tpu.dma_semaphore, #tpu.memory_space<semaphore_mem>>
        %dma_start3A_116 = arith.constant 0 : i32
        %dma_start3A_117 = tpu.memref_slice %arg15[%scan3A_105, %dma_start3A_116] : memref<125x80xi32, #tpu.memory_space<vmem>> -> memref<1x80xi32, #tpu.memory_space<vmem>>
        %dma_start3A_118 = tpu.memref_squeeze %dma_start3A_117 : memref<1x80xi32, #tpu.memory_space<vmem>> -> memref<80xi32, #tpu.memory_space<vmem>>
        %dma_start3A_119 = arith.constant 0 : i32
        %dma_start3A_120 = arith.constant 0 : i32
        %dma_start3A_121 = tpu.memref_slice %arg17[%dma_start3A_119, %dma_start3A_120] : memref<10112x128xf32, #tpu.memory_space<vmem_shared>> -> memref<10112x128xf32, #tpu.memory_space<vmem_shared>>
        tpu.enqueue_indirect_dma source(%arg16 : memref<80x128xf32, #tpu.memory_space<vmem>>) target(%dma_start3A_121 : memref<10112x128xf32, #tpu.memory_space<vmem_shared>>) offsets(%dma_start3A_118 : memref<80xi32, #tpu.memory_space<vmem>>) semaphore(%run_scoped3A : memref<!tpu.dma_semaphore, #tpu.memory_space<semaphore_mem>>) {add = true}
        %dma_wait3A_122 = arith.constant 0 : i32
        %dma_wait3A_123 = tpu.memref_slice %arg15[%scan3A_105, %dma_wait3A_122] : memref<125x80xi32, #tpu.memory_space<vmem>> -> memref<1x80xi32, #tpu.memory_space<vmem>>
        %dma_wait3A_124 = tpu.memref_squeeze %dma_wait3A_123 : memref<1x80xi32, #tpu.memory_space<vmem>> -> memref<80xi32, #tpu.memory_space<vmem>>
        %dma_wait3A_125 = arith.constant 0 : i32
        %dma_wait3A_126 = arith.constant 0 : i32
        %dma_wait3A_127 = tpu.memref_slice %arg17[%dma_wait3A_125, %dma_wait3A_126] : memref<10112x128xf32, #tpu.memory_space<vmem_shared>> -> memref<10112x128xf32, #tpu.memory_space<vmem_shared>>
        tpu.wait_indirect_dma semaphore(%run_scoped3A : memref<!tpu.dma_semaphore, #tpu.memory_space<semaphore_mem>>) src(%arg16 : memref<80x128xf32, #tpu.memory_space<vmem>>) dst(%dma_wait3A_127 : memref<10112x128xf32, #tpu.memory_space<vmem_shared>>)
        tpu.yield
      }) : () -> ()
    }
    %scan3A_46 = arith.constant 125 : i32
    %barrier3A_47 = arith.constant 0 : index
    tpu.barrier barrier_id(%barrier3A_47)
    %mul3A_48 = arith.constant 8 : i32
    %mul3A_49 = arith.muli %arg0, %mul3A_48 : i32
    %add3A_50 = arith.constant 3 : i32
    %add3A_51 = arith.addi %mul3A_49, %add3A_50 : i32
    "tpu.region"() ({
      %run_scoped3A = tpu.sem_alloc : memref<!tpu.dma_semaphore, #tpu.memory_space<semaphore_mem>>
      %dma_start3A = arith.constant 0 : i32
      %dma_start3A_105 = tpu.memref_slice %arg13[%add3A_51, %mul3A_2, %dma_start3A] : memref<16x10112x128xf32, #tpu.memory_space<hbm>> -> memref<1x632x128xf32, #tpu.memory_space<hbm>>
      %dma_start3A_106 = tpu.memref_squeeze %dma_start3A_105 : memref<1x632x128xf32, #tpu.memory_space<hbm>> -> memref<632x128xf32, #tpu.memory_space<hbm>>
      %dma_start3A_107 = arith.constant 0 : i32
      %dma_start3A_108 = tpu.memref_slice %arg17[%mul3A_2, %dma_start3A_107] : memref<10112x128xf32, #tpu.memory_space<vmem_shared>> -> memref<632x128xf32, #tpu.memory_space<vmem_shared>>
      tpu.enqueue_dma source(%dma_start3A_108 : memref<632x128xf32, #tpu.memory_space<vmem_shared>>) target(%dma_start3A_106 : memref<632x128xf32, #tpu.memory_space<hbm>>) target_semaphore(%run_scoped3A : memref<!tpu.dma_semaphore, #tpu.memory_space<semaphore_mem>>)
      %dma_wait3A = arith.constant 0 : i32
      %dma_wait3A_109 = tpu.memref_slice %arg13[%add3A_51, %mul3A_2, %dma_wait3A] : memref<16x10112x128xf32, #tpu.memory_space<hbm>> -> memref<1x632x128xf32, #tpu.memory_space<hbm>>
      %dma_wait3A_110 = tpu.memref_squeeze %dma_wait3A_109 : memref<1x632x128xf32, #tpu.memory_space<hbm>> -> memref<632x128xf32, #tpu.memory_space<hbm>>
      %dma_wait3A_111 = arith.constant 0 : i32
      %dma_wait3A_112 = tpu.memref_slice %arg17[%mul3A_2, %dma_wait3A_111] : memref<10112x128xf32, #tpu.memory_space<vmem_shared>> -> memref<632x128xf32, #tpu.memory_space<vmem_shared>>
      tpu.wait_dma2 semaphore(%run_scoped3A : memref<!tpu.dma_semaphore, #tpu.memory_space<semaphore_mem>>) src(%dma_wait3A_112 : memref<632x128xf32, #tpu.memory_space<vmem_shared>>) dst(%dma_wait3A_110 : memref<632x128xf32, #tpu.memory_space<hbm>>)
      tpu.yield
    }) : () -> ()
    %barrier3A_52 = arith.constant 0 : index
    tpu.barrier barrier_id(%barrier3A_52)
    "tpu.region"() ({
      %run_scoped3A = tpu.sem_alloc : memref<!tpu.dma_semaphore, #tpu.memory_space<semaphore_mem>>
      %dma_start3A = arith.constant 0 : i32
      %dma_start3A_105 = tpu.memref_slice %arg17[%mul3A_2, %dma_start3A] : memref<10112x128xf32, #tpu.memory_space<vmem_shared>> -> memref<632x128xf32, #tpu.memory_space<vmem_shared>>
      tpu.enqueue_dma source(%arg4 : memref<632x128xf32, #tpu.memory_space<hbm>>) target(%dma_start3A_105 : memref<632x128xf32, #tpu.memory_space<vmem_shared>>) target_semaphore(%run_scoped3A : memref<!tpu.dma_semaphore, #tpu.memory_space<semaphore_mem>>)
      %dma_wait3A = arith.constant 0 : i32
      %dma_wait3A_106 = tpu.memref_slice %arg17[%mul3A_2, %dma_wait3A] : memref<10112x128xf32, #tpu.memory_space<vmem_shared>> -> memref<632x128xf32, #tpu.memory_space<vmem_shared>>
      tpu.wait_dma2 semaphore(%run_scoped3A : memref<!tpu.dma_semaphore, #tpu.memory_space<semaphore_mem>>) src(%arg4 : memref<632x128xf32, #tpu.memory_space<hbm>>) dst(%dma_wait3A_106 : memref<632x128xf32, #tpu.memory_space<vmem_shared>>)
      tpu.yield
    }) : () -> ()
    %barrier3A_53 = arith.constant 0 : index
    tpu.barrier barrier_id(%barrier3A_53)
    %scan3A_54 = arith.constant 0 : i32
    %scan3A_55 = arith.constant 0 : i32
    %scan3A_56 = arith.constant 125 : i32
    %scan3A_57 = arith.addi %scan3A_55, %scan3A_56 : i32
    %scan3A_58 = arith.constant 1 : i32
    scf.for %scan3A_105 = %scan3A_55 to %scan3A_57 step %scan3A_58  : i32 {
      %dma_start3A = arith.constant 0 : i32
      %dma_start3A_106 = tpu.memref_slice %arg14[%scan3A_105, %dma_start3A] : memref<125x80xi32, #tpu.memory_space<vmem>> -> memref<1x80xi32, #tpu.memory_space<vmem>>
      %dma_start3A_107 = tpu.memref_squeeze %dma_start3A_106 : memref<1x80xi32, #tpu.memory_space<vmem>> -> memref<80xi32, #tpu.memory_space<vmem>>
      %dma_start3A_108 = arith.constant 0 : i32
      %dma_start3A_109 = arith.constant 0 : i32
      %dma_start3A_110 = tpu.memref_slice %arg9[%dma_start3A_108, %dma_start3A_109] : memref<10000x128xf32, #tpu.memory_space<hbm>> -> memref<10000x128xf32, #tpu.memory_space<hbm>>
      tpu.enqueue_indirect_dma source(%dma_start3A_110 : memref<10000x128xf32, #tpu.memory_space<hbm>>) target(%arg16 : memref<80x128xf32, #tpu.memory_space<vmem>>) offsets(%dma_start3A_107 : memref<80xi32, #tpu.memory_space<vmem>>) semaphore(%arg18 : memref<!tpu.dma_semaphore, #tpu.memory_space<semaphore_mem>>)
      %dma_wait3A = arith.constant 0 : i32
      %dma_wait3A_111 = tpu.memref_slice %arg14[%scan3A_105, %dma_wait3A] : memref<125x80xi32, #tpu.memory_space<vmem>> -> memref<1x80xi32, #tpu.memory_space<vmem>>
      %dma_wait3A_112 = tpu.memref_squeeze %dma_wait3A_111 : memref<1x80xi32, #tpu.memory_space<vmem>> -> memref<80xi32, #tpu.memory_space<vmem>>
      %dma_wait3A_113 = arith.constant 0 : i32
      %dma_wait3A_114 = arith.constant 0 : i32
      %dma_wait3A_115 = tpu.memref_slice %arg9[%dma_wait3A_113, %dma_wait3A_114] : memref<10000x128xf32, #tpu.memory_space<hbm>> -> memref<10000x128xf32, #tpu.memory_space<hbm>>
      tpu.wait_indirect_dma semaphore(%arg18 : memref<!tpu.dma_semaphore, #tpu.memory_space<semaphore_mem>>) src(%dma_wait3A_115 : memref<10000x128xf32, #tpu.memory_space<hbm>>) dst(%arg16 : memref<80x128xf32, #tpu.memory_space<vmem>>)
      "tpu.region"() ({
        %run_scoped3A = tpu.sem_alloc : memref<!tpu.dma_semaphore, #tpu.memory_space<semaphore_mem>>
        %dma_start3A_116 = arith.constant 0 : i32
        %dma_start3A_117 = tpu.memref_slice %arg15[%scan3A_105, %dma_start3A_116] : memref<125x80xi32, #tpu.memory_space<vmem>> -> memref<1x80xi32, #tpu.memory_space<vmem>>
        %dma_start3A_118 = tpu.memref_squeeze %dma_start3A_117 : memref<1x80xi32, #tpu.memory_space<vmem>> -> memref<80xi32, #tpu.memory_space<vmem>>
        %dma_start3A_119 = arith.constant 0 : i32
        %dma_start3A_120 = arith.constant 0 : i32
        %dma_start3A_121 = tpu.memref_slice %arg17[%dma_start3A_119, %dma_start3A_120] : memref<10112x128xf32, #tpu.memory_space<vmem_shared>> -> memref<10112x128xf32, #tpu.memory_space<vmem_shared>>
        tpu.enqueue_indirect_dma source(%arg16 : memref<80x128xf32, #tpu.memory_space<vmem>>) target(%dma_start3A_121 : memref<10112x128xf32, #tpu.memory_space<vmem_shared>>) offsets(%dma_start3A_118 : memref<80xi32, #tpu.memory_space<vmem>>) semaphore(%run_scoped3A : memref<!tpu.dma_semaphore, #tpu.memory_space<semaphore_mem>>) {add = true}
        %dma_wait3A_122 = arith.constant 0 : i32
        %dma_wait3A_123 = tpu.memref_slice %arg15[%scan3A_105, %dma_wait3A_122] : memref<125x80xi32, #tpu.memory_space<vmem>> -> memref<1x80xi32, #tpu.memory_space<vmem>>
        %dma_wait3A_124 = tpu.memref_squeeze %dma_wait3A_123 : memref<1x80xi32, #tpu.memory_space<vmem>> -> memref<80xi32, #tpu.memory_space<vmem>>
        %dma_wait3A_125 = arith.constant 0 : i32
        %dma_wait3A_126 = arith.constant 0 : i32
        %dma_wait3A_127 = tpu.memref_slice %arg17[%dma_wait3A_125, %dma_wait3A_126] : memref<10112x128xf32, #tpu.memory_space<vmem_shared>> -> memref<10112x128xf32, #tpu.memory_space<vmem_shared>>
        tpu.wait_indirect_dma semaphore(%run_scoped3A : memref<!tpu.dma_semaphore, #tpu.memory_space<semaphore_mem>>) src(%arg16 : memref<80x128xf32, #tpu.memory_space<vmem>>) dst(%dma_wait3A_127 : memref<10112x128xf32, #tpu.memory_space<vmem_shared>>)
        tpu.yield
      }) : () -> ()
    }
    %scan3A_59 = arith.constant 125 : i32
    %barrier3A_60 = arith.constant 0 : index
    tpu.barrier barrier_id(%barrier3A_60)
    %mul3A_61 = arith.constant 8 : i32
    %mul3A_62 = arith.muli %arg0, %mul3A_61 : i32
    %add3A_63 = arith.constant 4 : i32
    %add3A_64 = arith.addi %mul3A_62, %add3A_63 : i32
    "tpu.region"() ({
      %run_scoped3A = tpu.sem_alloc : memref<!tpu.dma_semaphore, #tpu.memory_space<semaphore_mem>>
      %dma_start3A = arith.constant 0 : i32
      %dma_start3A_105 = tpu.memref_slice %arg13[%add3A_64, %mul3A_2, %dma_start3A] : memref<16x10112x128xf32, #tpu.memory_space<hbm>> -> memref<1x632x128xf32, #tpu.memory_space<hbm>>
      %dma_start3A_106 = tpu.memref_squeeze %dma_start3A_105 : memref<1x632x128xf32, #tpu.memory_space<hbm>> -> memref<632x128xf32, #tpu.memory_space<hbm>>
      %dma_start3A_107 = arith.constant 0 : i32
      %dma_start3A_108 = tpu.memref_slice %arg17[%mul3A_2, %dma_start3A_107] : memref<10112x128xf32, #tpu.memory_space<vmem_shared>> -> memref<632x128xf32, #tpu.memory_space<vmem_shared>>
      tpu.enqueue_dma source(%dma_start3A_108 : memref<632x128xf32, #tpu.memory_space<vmem_shared>>) target(%dma_start3A_106 : memref<632x128xf32, #tpu.memory_space<hbm>>) target_semaphore(%run_scoped3A : memref<!tpu.dma_semaphore, #tpu.memory_space<semaphore_mem>>)
      %dma_wait3A = arith.constant 0 : i32
      %dma_wait3A_109 = tpu.memref_slice %arg13[%add3A_64, %mul3A_2, %dma_wait3A] : memref<16x10112x128xf32, #tpu.memory_space<hbm>> -> memref<1x632x128xf32, #tpu.memory_space<hbm>>
      %dma_wait3A_110 = tpu.memref_squeeze %dma_wait3A_109 : memref<1x632x128xf32, #tpu.memory_space<hbm>> -> memref<632x128xf32, #tpu.memory_space<hbm>>
      %dma_wait3A_111 = arith.constant 0 : i32
      %dma_wait3A_112 = tpu.memref_slice %arg17[%mul3A_2, %dma_wait3A_111] : memref<10112x128xf32, #tpu.memory_space<vmem_shared>> -> memref<632x128xf32, #tpu.memory_space<vmem_shared>>
      tpu.wait_dma2 semaphore(%run_scoped3A : memref<!tpu.dma_semaphore, #tpu.memory_space<semaphore_mem>>) src(%dma_wait3A_112 : memref<632x128xf32, #tpu.memory_space<vmem_shared>>) dst(%dma_wait3A_110 : memref<632x128xf32, #tpu.memory_space<hbm>>)
      tpu.yield
    }) : () -> ()
    %barrier3A_65 = arith.constant 0 : index
    tpu.barrier barrier_id(%barrier3A_65)
    "tpu.region"() ({
      %run_scoped3A = tpu.sem_alloc : memref<!tpu.dma_semaphore, #tpu.memory_space<semaphore_mem>>
      %dma_start3A = arith.constant 0 : i32
      %dma_start3A_105 = tpu.memref_slice %arg17[%mul3A_2, %dma_start3A] : memref<10112x128xf32, #tpu.memory_space<vmem_shared>> -> memref<632x128xf32, #tpu.memory_space<vmem_shared>>
      tpu.enqueue_dma source(%arg4 : memref<632x128xf32, #tpu.memory_space<hbm>>) target(%dma_start3A_105 : memref<632x128xf32, #tpu.memory_space<vmem_shared>>) target_semaphore(%run_scoped3A : memref<!tpu.dma_semaphore, #tpu.memory_space<semaphore_mem>>)
      %dma_wait3A = arith.constant 0 : i32
      %dma_wait3A_106 = tpu.memref_slice %arg17[%mul3A_2, %dma_wait3A] : memref<10112x128xf32, #tpu.memory_space<vmem_shared>> -> memref<632x128xf32, #tpu.memory_space<vmem_shared>>
      tpu.wait_dma2 semaphore(%run_scoped3A : memref<!tpu.dma_semaphore, #tpu.memory_space<semaphore_mem>>) src(%arg4 : memref<632x128xf32, #tpu.memory_space<hbm>>) dst(%dma_wait3A_106 : memref<632x128xf32, #tpu.memory_space<vmem_shared>>)
      tpu.yield
    }) : () -> ()
    %barrier3A_66 = arith.constant 0 : index
    tpu.barrier barrier_id(%barrier3A_66)
    %scan3A_67 = arith.constant 0 : i32
    %scan3A_68 = arith.constant 0 : i32
    %scan3A_69 = arith.constant 125 : i32
    %scan3A_70 = arith.addi %scan3A_68, %scan3A_69 : i32
    %scan3A_71 = arith.constant 1 : i32
    scf.for %scan3A_105 = %scan3A_68 to %scan3A_70 step %scan3A_71  : i32 {
      %dma_start3A = arith.constant 0 : i32
      %dma_start3A_106 = tpu.memref_slice %arg14[%scan3A_105, %dma_start3A] : memref<125x80xi32, #tpu.memory_space<vmem>> -> memref<1x80xi32, #tpu.memory_space<vmem>>
      %dma_start3A_107 = tpu.memref_squeeze %dma_start3A_106 : memref<1x80xi32, #tpu.memory_space<vmem>> -> memref<80xi32, #tpu.memory_space<vmem>>
      %dma_start3A_108 = arith.constant 0 : i32
      %dma_start3A_109 = arith.constant 0 : i32
      %dma_start3A_110 = tpu.memref_slice %arg10[%dma_start3A_108, %dma_start3A_109] : memref<10000x128xf32, #tpu.memory_space<hbm>> -> memref<10000x128xf32, #tpu.memory_space<hbm>>
      tpu.enqueue_indirect_dma source(%dma_start3A_110 : memref<10000x128xf32, #tpu.memory_space<hbm>>) target(%arg16 : memref<80x128xf32, #tpu.memory_space<vmem>>) offsets(%dma_start3A_107 : memref<80xi32, #tpu.memory_space<vmem>>) semaphore(%arg18 : memref<!tpu.dma_semaphore, #tpu.memory_space<semaphore_mem>>)
      %dma_wait3A = arith.constant 0 : i32
      %dma_wait3A_111 = tpu.memref_slice %arg14[%scan3A_105, %dma_wait3A] : memref<125x80xi32, #tpu.memory_space<vmem>> -> memref<1x80xi32, #tpu.memory_space<vmem>>
      %dma_wait3A_112 = tpu.memref_squeeze %dma_wait3A_111 : memref<1x80xi32, #tpu.memory_space<vmem>> -> memref<80xi32, #tpu.memory_space<vmem>>
      %dma_wait3A_113 = arith.constant 0 : i32
      %dma_wait3A_114 = arith.constant 0 : i32
      %dma_wait3A_115 = tpu.memref_slice %arg10[%dma_wait3A_113, %dma_wait3A_114] : memref<10000x128xf32, #tpu.memory_space<hbm>> -> memref<10000x128xf32, #tpu.memory_space<hbm>>
      tpu.wait_indirect_dma semaphore(%arg18 : memref<!tpu.dma_semaphore, #tpu.memory_space<semaphore_mem>>) src(%dma_wait3A_115 : memref<10000x128xf32, #tpu.memory_space<hbm>>) dst(%arg16 : memref<80x128xf32, #tpu.memory_space<vmem>>)
      "tpu.region"() ({
        %run_scoped3A = tpu.sem_alloc : memref<!tpu.dma_semaphore, #tpu.memory_space<semaphore_mem>>
        %dma_start3A_116 = arith.constant 0 : i32
        %dma_start3A_117 = tpu.memref_slice %arg15[%scan3A_105, %dma_start3A_116] : memref<125x80xi32, #tpu.memory_space<vmem>> -> memref<1x80xi32, #tpu.memory_space<vmem>>
        %dma_start3A_118 = tpu.memref_squeeze %dma_start3A_117 : memref<1x80xi32, #tpu.memory_space<vmem>> -> memref<80xi32, #tpu.memory_space<vmem>>
        %dma_start3A_119 = arith.constant 0 : i32
        %dma_start3A_120 = arith.constant 0 : i32
        %dma_start3A_121 = tpu.memref_slice %arg17[%dma_start3A_119, %dma_start3A_120] : memref<10112x128xf32, #tpu.memory_space<vmem_shared>> -> memref<10112x128xf32, #tpu.memory_space<vmem_shared>>
        tpu.enqueue_indirect_dma source(%arg16 : memref<80x128xf32, #tpu.memory_space<vmem>>) target(%dma_start3A_121 : memref<10112x128xf32, #tpu.memory_space<vmem_shared>>) offsets(%dma_start3A_118 : memref<80xi32, #tpu.memory_space<vmem>>) semaphore(%run_scoped3A : memref<!tpu.dma_semaphore, #tpu.memory_space<semaphore_mem>>) {add = true}
        %dma_wait3A_122 = arith.constant 0 : i32
        %dma_wait3A_123 = tpu.memref_slice %arg15[%scan3A_105, %dma_wait3A_122] : memref<125x80xi32, #tpu.memory_space<vmem>> -> memref<1x80xi32, #tpu.memory_space<vmem>>
        %dma_wait3A_124 = tpu.memref_squeeze %dma_wait3A_123 : memref<1x80xi32, #tpu.memory_space<vmem>> -> memref<80xi32, #tpu.memory_space<vmem>>
        %dma_wait3A_125 = arith.constant 0 : i32
        %dma_wait3A_126 = arith.constant 0 : i32
        %dma_wait3A_127 = tpu.memref_slice %arg17[%dma_wait3A_125, %dma_wait3A_126] : memref<10112x128xf32, #tpu.memory_space<vmem_shared>> -> memref<10112x128xf32, #tpu.memory_space<vmem_shared>>
        tpu.wait_indirect_dma semaphore(%run_scoped3A : memref<!tpu.dma_semaphore, #tpu.memory_space<semaphore_mem>>) src(%arg16 : memref<80x128xf32, #tpu.memory_space<vmem>>) dst(%dma_wait3A_127 : memref<10112x128xf32, #tpu.memory_space<vmem_shared>>)
        tpu.yield
      }) : () -> ()
    }
    %scan3A_72 = arith.constant 125 : i32
    %barrier3A_73 = arith.constant 0 : index
    tpu.barrier barrier_id(%barrier3A_73)
    %mul3A_74 = arith.constant 8 : i32
    %mul3A_75 = arith.muli %arg0, %mul3A_74 : i32
    %add3A_76 = arith.constant 5 : i32
    %add3A_77 = arith.addi %mul3A_75, %add3A_76 : i32
    "tpu.region"() ({
      %run_scoped3A = tpu.sem_alloc : memref<!tpu.dma_semaphore, #tpu.memory_space<semaphore_mem>>
      %dma_start3A = arith.constant 0 : i32
      %dma_start3A_105 = tpu.memref_slice %arg13[%add3A_77, %mul3A_2, %dma_start3A] : memref<16x10112x128xf32, #tpu.memory_space<hbm>> -> memref<1x632x128xf32, #tpu.memory_space<hbm>>
      %dma_start3A_106 = tpu.memref_squeeze %dma_start3A_105 : memref<1x632x128xf32, #tpu.memory_space<hbm>> -> memref<632x128xf32, #tpu.memory_space<hbm>>
      %dma_start3A_107 = arith.constant 0 : i32
      %dma_start3A_108 = tpu.memref_slice %arg17[%mul3A_2, %dma_start3A_107] : memref<10112x128xf32, #tpu.memory_space<vmem_shared>> -> memref<632x128xf32, #tpu.memory_space<vmem_shared>>
      tpu.enqueue_dma source(%dma_start3A_108 : memref<632x128xf32, #tpu.memory_space<vmem_shared>>) target(%dma_start3A_106 : memref<632x128xf32, #tpu.memory_space<hbm>>) target_semaphore(%run_scoped3A : memref<!tpu.dma_semaphore, #tpu.memory_space<semaphore_mem>>)
      %dma_wait3A = arith.constant 0 : i32
      %dma_wait3A_109 = tpu.memref_slice %arg13[%add3A_77, %mul3A_2, %dma_wait3A] : memref<16x10112x128xf32, #tpu.memory_space<hbm>> -> memref<1x632x128xf32, #tpu.memory_space<hbm>>
      %dma_wait3A_110 = tpu.memref_squeeze %dma_wait3A_109 : memref<1x632x128xf32, #tpu.memory_space<hbm>> -> memref<632x128xf32, #tpu.memory_space<hbm>>
      %dma_wait3A_111 = arith.constant 0 : i32
      %dma_wait3A_112 = tpu.memref_slice %arg17[%mul3A_2, %dma_wait3A_111] : memref<10112x128xf32, #tpu.memory_space<vmem_shared>> -> memref<632x128xf32, #tpu.memory_space<vmem_shared>>
      tpu.wait_dma2 semaphore(%run_scoped3A : memref<!tpu.dma_semaphore, #tpu.memory_space<semaphore_mem>>) src(%dma_wait3A_112 : memref<632x128xf32, #tpu.memory_space<vmem_shared>>) dst(%dma_wait3A_110 : memref<632x128xf32, #tpu.memory_space<hbm>>)
      tpu.yield
    }) : () -> ()
    %barrier3A_78 = arith.constant 0 : index
    tpu.barrier barrier_id(%barrier3A_78)
    "tpu.region"() ({
      %run_scoped3A = tpu.sem_alloc : memref<!tpu.dma_semaphore, #tpu.memory_space<semaphore_mem>>
      %dma_start3A = arith.constant 0 : i32
      %dma_start3A_105 = tpu.memref_slice %arg17[%mul3A_2, %dma_start3A] : memref<10112x128xf32, #tpu.memory_space<vmem_shared>> -> memref<632x128xf32, #tpu.memory_space<vmem_shared>>
      tpu.enqueue_dma source(%arg4 : memref<632x128xf32, #tpu.memory_space<hbm>>) target(%dma_start3A_105 : memref<632x128xf32, #tpu.memory_space<vmem_shared>>) target_semaphore(%run_scoped3A : memref<!tpu.dma_semaphore, #tpu.memory_space<semaphore_mem>>)
      %dma_wait3A = arith.constant 0 : i32
      %dma_wait3A_106 = tpu.memref_slice %arg17[%mul3A_2, %dma_wait3A] : memref<10112x128xf32, #tpu.memory_space<vmem_shared>> -> memref<632x128xf32, #tpu.memory_space<vmem_shared>>
      tpu.wait_dma2 semaphore(%run_scoped3A : memref<!tpu.dma_semaphore, #tpu.memory_space<semaphore_mem>>) src(%arg4 : memref<632x128xf32, #tpu.memory_space<hbm>>) dst(%dma_wait3A_106 : memref<632x128xf32, #tpu.memory_space<vmem_shared>>)
      tpu.yield
    }) : () -> ()
    %barrier3A_79 = arith.constant 0 : index
    tpu.barrier barrier_id(%barrier3A_79)
    %scan3A_80 = arith.constant 0 : i32
    %scan3A_81 = arith.constant 0 : i32
    %scan3A_82 = arith.constant 125 : i32
    %scan3A_83 = arith.addi %scan3A_81, %scan3A_82 : i32
    %scan3A_84 = arith.constant 1 : i32
    scf.for %scan3A_105 = %scan3A_81 to %scan3A_83 step %scan3A_84  : i32 {
      %dma_start3A = arith.constant 0 : i32
      %dma_start3A_106 = tpu.memref_slice %arg14[%scan3A_105, %dma_start3A] : memref<125x80xi32, #tpu.memory_space<vmem>> -> memref<1x80xi32, #tpu.memory_space<vmem>>
      %dma_start3A_107 = tpu.memref_squeeze %dma_start3A_106 : memref<1x80xi32, #tpu.memory_space<vmem>> -> memref<80xi32, #tpu.memory_space<vmem>>
      %dma_start3A_108 = arith.constant 0 : i32
      %dma_start3A_109 = arith.constant 0 : i32
      %dma_start3A_110 = tpu.memref_slice %arg11[%dma_start3A_108, %dma_start3A_109] : memref<10000x128xf32, #tpu.memory_space<hbm>> -> memref<10000x128xf32, #tpu.memory_space<hbm>>
      tpu.enqueue_indirect_dma source(%dma_start3A_110 : memref<10000x128xf32, #tpu.memory_space<hbm>>) target(%arg16 : memref<80x128xf32, #tpu.memory_space<vmem>>) offsets(%dma_start3A_107 : memref<80xi32, #tpu.memory_space<vmem>>) semaphore(%arg18 : memref<!tpu.dma_semaphore, #tpu.memory_space<semaphore_mem>>)
      %dma_wait3A = arith.constant 0 : i32
      %dma_wait3A_111 = tpu.memref_slice %arg14[%scan3A_105, %dma_wait3A] : memref<125x80xi32, #tpu.memory_space<vmem>> -> memref<1x80xi32, #tpu.memory_space<vmem>>
      %dma_wait3A_112 = tpu.memref_squeeze %dma_wait3A_111 : memref<1x80xi32, #tpu.memory_space<vmem>> -> memref<80xi32, #tpu.memory_space<vmem>>
      %dma_wait3A_113 = arith.constant 0 : i32
      %dma_wait3A_114 = arith.constant 0 : i32
      %dma_wait3A_115 = tpu.memref_slice %arg11[%dma_wait3A_113, %dma_wait3A_114] : memref<10000x128xf32, #tpu.memory_space<hbm>> -> memref<10000x128xf32, #tpu.memory_space<hbm>>
      tpu.wait_indirect_dma semaphore(%arg18 : memref<!tpu.dma_semaphore, #tpu.memory_space<semaphore_mem>>) src(%dma_wait3A_115 : memref<10000x128xf32, #tpu.memory_space<hbm>>) dst(%arg16 : memref<80x128xf32, #tpu.memory_space<vmem>>)
      "tpu.region"() ({
        %run_scoped3A = tpu.sem_alloc : memref<!tpu.dma_semaphore, #tpu.memory_space<semaphore_mem>>
        %dma_start3A_116 = arith.constant 0 : i32
        %dma_start3A_117 = tpu.memref_slice %arg15[%scan3A_105, %dma_start3A_116] : memref<125x80xi32, #tpu.memory_space<vmem>> -> memref<1x80xi32, #tpu.memory_space<vmem>>
        %dma_start3A_118 = tpu.memref_squeeze %dma_start3A_117 : memref<1x80xi32, #tpu.memory_space<vmem>> -> memref<80xi32, #tpu.memory_space<vmem>>
        %dma_start3A_119 = arith.constant 0 : i32
        %dma_start3A_120 = arith.constant 0 : i32
        %dma_start3A_121 = tpu.memref_slice %arg17[%dma_start3A_119, %dma_start3A_120] : memref<10112x128xf32, #tpu.memory_space<vmem_shared>> -> memref<10112x128xf32, #tpu.memory_space<vmem_shared>>
        tpu.enqueue_indirect_dma source(%arg16 : memref<80x128xf32, #tpu.memory_space<vmem>>) target(%dma_start3A_121 : memref<10112x128xf32, #tpu.memory_space<vmem_shared>>) offsets(%dma_start3A_118 : memref<80xi32, #tpu.memory_space<vmem>>) semaphore(%run_scoped3A : memref<!tpu.dma_semaphore, #tpu.memory_space<semaphore_mem>>) {add = true}
        %dma_wait3A_122 = arith.constant 0 : i32
        %dma_wait3A_123 = tpu.memref_slice %arg15[%scan3A_105, %dma_wait3A_122] : memref<125x80xi32, #tpu.memory_space<vmem>> -> memref<1x80xi32, #tpu.memory_space<vmem>>
        %dma_wait3A_124 = tpu.memref_squeeze %dma_wait3A_123 : memref<1x80xi32, #tpu.memory_space<vmem>> -> memref<80xi32, #tpu.memory_space<vmem>>
        %dma_wait3A_125 = arith.constant 0 : i32
        %dma_wait3A_126 = arith.constant 0 : i32
        %dma_wait3A_127 = tpu.memref_slice %arg17[%dma_wait3A_125, %dma_wait3A_126] : memref<10112x128xf32, #tpu.memory_space<vmem_shared>> -> memref<10112x128xf32, #tpu.memory_space<vmem_shared>>
        tpu.wait_indirect_dma semaphore(%run_scoped3A : memref<!tpu.dma_semaphore, #tpu.memory_space<semaphore_mem>>) src(%arg16 : memref<80x128xf32, #tpu.memory_space<vmem>>) dst(%dma_wait3A_127 : memref<10112x128xf32, #tpu.memory_space<vmem_shared>>)
        tpu.yield
      }) : () -> ()
    }
    %scan3A_85 = arith.constant 125 : i32
    %barrier3A_86 = arith.constant 0 : index
    tpu.barrier barrier_id(%barrier3A_86)
    %mul3A_87 = arith.constant 8 : i32
    %mul3A_88 = arith.muli %arg0, %mul3A_87 : i32
    %add3A_89 = arith.constant 6 : i32
    %add3A_90 = arith.addi %mul3A_88, %add3A_89 : i32
    "tpu.region"() ({
      %run_scoped3A = tpu.sem_alloc : memref<!tpu.dma_semaphore, #tpu.memory_space<semaphore_mem>>
      %dma_start3A = arith.constant 0 : i32
      %dma_start3A_105 = tpu.memref_slice %arg13[%add3A_90, %mul3A_2, %dma_start3A] : memref<16x10112x128xf32, #tpu.memory_space<hbm>> -> memref<1x632x128xf32, #tpu.memory_space<hbm>>
      %dma_start3A_106 = tpu.memref_squeeze %dma_start3A_105 : memref<1x632x128xf32, #tpu.memory_space<hbm>> -> memref<632x128xf32, #tpu.memory_space<hbm>>
      %dma_start3A_107 = arith.constant 0 : i32
      %dma_start3A_108 = tpu.memref_slice %arg17[%mul3A_2, %dma_start3A_107] : memref<10112x128xf32, #tpu.memory_space<vmem_shared>> -> memref<632x128xf32, #tpu.memory_space<vmem_shared>>
      tpu.enqueue_dma source(%dma_start3A_108 : memref<632x128xf32, #tpu.memory_space<vmem_shared>>) target(%dma_start3A_106 : memref<632x128xf32, #tpu.memory_space<hbm>>) target_semaphore(%run_scoped3A : memref<!tpu.dma_semaphore, #tpu.memory_space<semaphore_mem>>)
      %dma_wait3A = arith.constant 0 : i32
      %dma_wait3A_109 = tpu.memref_slice %arg13[%add3A_90, %mul3A_2, %dma_wait3A] : memref<16x10112x128xf32, #tpu.memory_space<hbm>> -> memref<1x632x128xf32, #tpu.memory_space<hbm>>
      %dma_wait3A_110 = tpu.memref_squeeze %dma_wait3A_109 : memref<1x632x128xf32, #tpu.memory_space<hbm>> -> memref<632x128xf32, #tpu.memory_space<hbm>>
      %dma_wait3A_111 = arith.constant 0 : i32
      %dma_wait3A_112 = tpu.memref_slice %arg17[%mul3A_2, %dma_wait3A_111] : memref<10112x128xf32, #tpu.memory_space<vmem_shared>> -> memref<632x128xf32, #tpu.memory_space<vmem_shared>>
      tpu.wait_dma2 semaphore(%run_scoped3A : memref<!tpu.dma_semaphore, #tpu.memory_space<semaphore_mem>>) src(%dma_wait3A_112 : memref<632x128xf32, #tpu.memory_space<vmem_shared>>) dst(%dma_wait3A_110 : memref<632x128xf32, #tpu.memory_space<hbm>>)
      tpu.yield
    }) : () -> ()
    %barrier3A_91 = arith.constant 0 : index
    tpu.barrier barrier_id(%barrier3A_91)
    "tpu.region"() ({
      %run_scoped3A = tpu.sem_alloc : memref<!tpu.dma_semaphore, #tpu.memory_space<semaphore_mem>>
      %dma_start3A = arith.constant 0 : i32
      %dma_start3A_105 = tpu.memref_slice %arg17[%mul3A_2, %dma_start3A] : memref<10112x128xf32, #tpu.memory_space<vmem_shared>> -> memref<632x128xf32, #tpu.memory_space<vmem_shared>>
      tpu.enqueue_dma source(%arg4 : memref<632x128xf32, #tpu.memory_space<hbm>>) target(%dma_start3A_105 : memref<632x128xf32, #tpu.memory_space<vmem_shared>>) target_semaphore(%run_scoped3A : memref<!tpu.dma_semaphore, #tpu.memory_space<semaphore_mem>>)
      %dma_wait3A = arith.constant 0 : i32
      %dma_wait3A_106 = tpu.memref_slice %arg17[%mul3A_2, %dma_wait3A] : memref<10112x128xf32, #tpu.memory_space<vmem_shared>> -> memref<632x128xf32, #tpu.memory_space<vmem_shared>>
      tpu.wait_dma2 semaphore(%run_scoped3A : memref<!tpu.dma_semaphore, #tpu.memory_space<semaphore_mem>>) src(%arg4 : memref<632x128xf32, #tpu.memory_space<hbm>>) dst(%dma_wait3A_106 : memref<632x128xf32, #tpu.memory_space<vmem_shared>>)
      tpu.yield
    }) : () -> ()
    %barrier3A_92 = arith.constant 0 : index
    tpu.barrier barrier_id(%barrier3A_92)
    %scan3A_93 = arith.constant 0 : i32
    %scan3A_94 = arith.constant 0 : i32
    %scan3A_95 = arith.constant 125 : i32
    %scan3A_96 = arith.addi %scan3A_94, %scan3A_95 : i32
    %scan3A_97 = arith.constant 1 : i32
    scf.for %scan3A_105 = %scan3A_94 to %scan3A_96 step %scan3A_97  : i32 {
      %dma_start3A = arith.constant 0 : i32
      %dma_start3A_106 = tpu.memref_slice %arg14[%scan3A_105, %dma_start3A] : memref<125x80xi32, #tpu.memory_space<vmem>> -> memref<1x80xi32, #tpu.memory_space<vmem>>
      %dma_start3A_107 = tpu.memref_squeeze %dma_start3A_106 : memref<1x80xi32, #tpu.memory_space<vmem>> -> memref<80xi32, #tpu.memory_space<vmem>>
      %dma_start3A_108 = arith.constant 0 : i32
      %dma_start3A_109 = arith.constant 0 : i32
      %dma_start3A_110 = tpu.memref_slice %arg12[%dma_start3A_108, %dma_start3A_109] : memref<10000x128xf32, #tpu.memory_space<hbm>> -> memref<10000x128xf32, #tpu.memory_space<hbm>>
      tpu.enqueue_indirect_dma source(%dma_start3A_110 : memref<10000x128xf32, #tpu.memory_space<hbm>>) target(%arg16 : memref<80x128xf32, #tpu.memory_space<vmem>>) offsets(%dma_start3A_107 : memref<80xi32, #tpu.memory_space<vmem>>) semaphore(%arg18 : memref<!tpu.dma_semaphore, #tpu.memory_space<semaphore_mem>>)
      %dma_wait3A = arith.constant 0 : i32
      %dma_wait3A_111 = tpu.memref_slice %arg14[%scan3A_105, %dma_wait3A] : memref<125x80xi32, #tpu.memory_space<vmem>> -> memref<1x80xi32, #tpu.memory_space<vmem>>
      %dma_wait3A_112 = tpu.memref_squeeze %dma_wait3A_111 : memref<1x80xi32, #tpu.memory_space<vmem>> -> memref<80xi32, #tpu.memory_space<vmem>>
      %dma_wait3A_113 = arith.constant 0 : i32
      %dma_wait3A_114 = arith.constant 0 : i32
      %dma_wait3A_115 = tpu.memref_slice %arg12[%dma_wait3A_113, %dma_wait3A_114] : memref<10000x128xf32, #tpu.memory_space<hbm>> -> memref<10000x128xf32, #tpu.memory_space<hbm>>
      tpu.wait_indirect_dma semaphore(%arg18 : memref<!tpu.dma_semaphore, #tpu.memory_space<semaphore_mem>>) src(%dma_wait3A_115 : memref<10000x128xf32, #tpu.memory_space<hbm>>) dst(%arg16 : memref<80x128xf32, #tpu.memory_space<vmem>>)
      "tpu.region"() ({
        %run_scoped3A = tpu.sem_alloc : memref<!tpu.dma_semaphore, #tpu.memory_space<semaphore_mem>>
        %dma_start3A_116 = arith.constant 0 : i32
        %dma_start3A_117 = tpu.memref_slice %arg15[%scan3A_105, %dma_start3A_116] : memref<125x80xi32, #tpu.memory_space<vmem>> -> memref<1x80xi32, #tpu.memory_space<vmem>>
        %dma_start3A_118 = tpu.memref_squeeze %dma_start3A_117 : memref<1x80xi32, #tpu.memory_space<vmem>> -> memref<80xi32, #tpu.memory_space<vmem>>
        %dma_start3A_119 = arith.constant 0 : i32
        %dma_start3A_120 = arith.constant 0 : i32
        %dma_start3A_121 = tpu.memref_slice %arg17[%dma_start3A_119, %dma_start3A_120] : memref<10112x128xf32, #tpu.memory_space<vmem_shared>> -> memref<10112x128xf32, #tpu.memory_space<vmem_shared>>
        tpu.enqueue_indirect_dma source(%arg16 : memref<80x128xf32, #tpu.memory_space<vmem>>) target(%dma_start3A_121 : memref<10112x128xf32, #tpu.memory_space<vmem_shared>>) offsets(%dma_start3A_118 : memref<80xi32, #tpu.memory_space<vmem>>) semaphore(%run_scoped3A : memref<!tpu.dma_semaphore, #tpu.memory_space<semaphore_mem>>) {add = true}
        %dma_wait3A_122 = arith.constant 0 : i32
        %dma_wait3A_123 = tpu.memref_slice %arg15[%scan3A_105, %dma_wait3A_122] : memref<125x80xi32, #tpu.memory_space<vmem>> -> memref<1x80xi32, #tpu.memory_space<vmem>>
        %dma_wait3A_124 = tpu.memref_squeeze %dma_wait3A_123 : memref<1x80xi32, #tpu.memory_space<vmem>> -> memref<80xi32, #tpu.memory_space<vmem>>
        %dma_wait3A_125 = arith.constant 0 : i32
        %dma_wait3A_126 = arith.constant 0 : i32
        %dma_wait3A_127 = tpu.memref_slice %arg17[%dma_wait3A_125, %dma_wait3A_126] : memref<10112x128xf32, #tpu.memory_space<vmem_shared>> -> memref<10112x128xf32, #tpu.memory_space<vmem_shared>>
        tpu.wait_indirect_dma semaphore(%run_scoped3A : memref<!tpu.dma_semaphore, #tpu.memory_space<semaphore_mem>>) src(%arg16 : memref<80x128xf32, #tpu.memory_space<vmem>>) dst(%dma_wait3A_127 : memref<10112x128xf32, #tpu.memory_space<vmem_shared>>)
        tpu.yield
      }) : () -> ()
    }
    %scan3A_98 = arith.constant 125 : i32
    %barrier3A_99 = arith.constant 0 : index
    tpu.barrier barrier_id(%barrier3A_99)
    %mul3A_100 = arith.constant 8 : i32
    %mul3A_101 = arith.muli %arg0, %mul3A_100 : i32
    %add3A_102 = arith.constant 7 : i32
    %add3A_103 = arith.addi %mul3A_101, %add3A_102 : i32
    "tpu.region"() ({
      %run_scoped3A = tpu.sem_alloc : memref<!tpu.dma_semaphore, #tpu.memory_space<semaphore_mem>>
      %dma_start3A = arith.constant 0 : i32
      %dma_start3A_105 = tpu.memref_slice %arg13[%add3A_103, %mul3A_2, %dma_start3A] : memref<16x10112x128xf32, #tpu.memory_space<hbm>> -> memref<1x632x128xf32, #tpu.memory_space<hbm>>
      %dma_start3A_106 = tpu.memref_squeeze %dma_start3A_105 : memref<1x632x128xf32, #tpu.memory_space<hbm>> -> memref<632x128xf32, #tpu.memory_space<hbm>>
      %dma_start3A_107 = arith.constant 0 : i32
      %dma_start3A_108 = tpu.memref_slice %arg17[%mul3A_2, %dma_start3A_107] : memref<10112x128xf32, #tpu.memory_space<vmem_shared>> -> memref<632x128xf32, #tpu.memory_space<vmem_shared>>
      tpu.enqueue_dma source(%dma_start3A_108 : memref<632x128xf32, #tpu.memory_space<vmem_shared>>) target(%dma_start3A_106 : memref<632x128xf32, #tpu.memory_space<hbm>>) target_semaphore(%run_scoped3A : memref<!tpu.dma_semaphore, #tpu.memory_space<semaphore_mem>>)
      %dma_wait3A = arith.constant 0 : i32
      %dma_wait3A_109 = tpu.memref_slice %arg13[%add3A_103, %mul3A_2, %dma_wait3A] : memref<16x10112x128xf32, #tpu.memory_space<hbm>> -> memref<1x632x128xf32, #tpu.memory_space<hbm>>
      %dma_wait3A_110 = tpu.memref_squeeze %dma_wait3A_109 : memref<1x632x128xf32, #tpu.memory_space<hbm>> -> memref<632x128xf32, #tpu.memory_space<hbm>>
      %dma_wait3A_111 = arith.constant 0 : i32
      %dma_wait3A_112 = tpu.memref_slice %arg17[%mul3A_2, %dma_wait3A_111] : memref<10112x128xf32, #tpu.memory_space<vmem_shared>> -> memref<632x128xf32, #tpu.memory_space<vmem_shared>>
      tpu.wait_dma2 semaphore(%run_scoped3A : memref<!tpu.dma_semaphore, #tpu.memory_space<semaphore_mem>>) src(%dma_wait3A_112 : memref<632x128xf32, #tpu.memory_space<vmem_shared>>) dst(%dma_wait3A_110 : memref<632x128xf32, #tpu.memory_space<hbm>>)
      tpu.yield
    }) : () -> ()
    %barrier3A_104 = arith.constant 0 : index
    tpu.barrier barrier_id(%barrier3A_104)
    return
  }
}

module attributes {stable_mosaic.version = 14 : i64} {
  func.func @body(%arg0: i32, %arg1: memref<400x128xf32, #tpu.memory_space<vmem>>, %arg2: memref<2x400x128xf32, #tpu.memory_space<vmem>>, %arg3: memref<128x1024xf32, #tpu.memory_space<vmem>>, %arg4: memref<1x1024xf32, #tpu.memory_space<vmem>>, %arg5: memref<1024x1024xf32, #tpu.memory_space<vmem>>, %arg6: memref<1x1024xf32, #tpu.memory_space<vmem>>, %arg7: memref<400x1024xf32, #tpu.memory_space<vmem>>, %arg8: memref<1x1024xf32, #tpu.memory_space<vmem>>, %arg9: memref<1x1024xf32, #tpu.memory_space<vmem>>) attributes {dimension_semantics = [#tpu.dimension_semantics<arbitrary>], iteration_bounds = array<i64: 25>, scalar_prefetch = 0 : i64, scratch_operands = 0 : i64, tpu.core_type = #tpu.core_type<tc>, window_params = [{transform_indices = @transform_0, window_bounds = array<i64: 400, 128>}, {transform_indices = @transform_1, window_bounds = array<i64: 2, 400, 128>}, {pipeline_mode = #tpu.pipeline_mode<synchronous>, transform_indices = @transform_2, window_bounds = array<i64: 128, 1024>}, {pipeline_mode = #tpu.pipeline_mode<synchronous>, transform_indices = @transform_3, window_bounds = array<i64: 1, 1024>}, {pipeline_mode = #tpu.pipeline_mode<synchronous>, transform_indices = @transform_4, window_bounds = array<i64: 1024, 1024>}, {pipeline_mode = #tpu.pipeline_mode<synchronous>, transform_indices = @transform_5, window_bounds = array<i64: 1, 1024>}, {transform_indices = @transform_6, window_bounds = array<i64: 400, 1024>}, {pipeline_mode = #tpu.pipeline_mode<synchronous>, transform_indices = @transform_7, window_bounds = array<i64: 1, 1024>}, {pipeline_mode = #tpu.pipeline_mode<synchronous>, transform_indices = @transform_8, window_bounds = array<i64: 1, 1024>}]} {
    %get3A = arith.constant 0 : index
    %get3A_0 = arith.constant 0 : index
    %get3A_1 = vector.load %arg1[%get3A, %get3A_0] : memref<400x128xf32, #tpu.memory_space<vmem>>, vector<400x128xf32>
    %get3A_2 = arith.constant 0 : index
    %get3A_3 = arith.constant 0 : index
    %get3A_4 = arith.constant 0 : index
    %get3A_5 = vector.load %arg2[%get3A_2, %get3A_3, %get3A_4] : memref<2x400x128xf32, #tpu.memory_space<vmem>>, vector<1x400x128xf32>
    %get3A_6 = vector.shape_cast %get3A_5 : vector<1x400x128xf32> to vector<400x128xf32>
    %add3A = arith.addf %get3A_1, %get3A_6 : vector<400x128xf32>
    %get3A_7 = arith.constant 1 : index
    %get3A_8 = arith.constant 0 : index
    %get3A_9 = arith.constant 0 : index
    %get3A_10 = vector.load %arg2[%get3A_7, %get3A_8, %get3A_9] : memref<2x400x128xf32, #tpu.memory_space<vmem>>, vector<1x400x128xf32>
    %get3A_11 = vector.shape_cast %get3A_10 : vector<1x400x128xf32> to vector<400x128xf32>
    %add3A_12 = arith.addf %add3A, %get3A_11 : vector<400x128xf32>
    %get3A_13 = arith.constant 0 : index
    %get3A_14 = arith.constant 0 : index
    %get3A_15 = vector.load %arg3[%get3A_13, %get3A_14] : memref<128x1024xf32, #tpu.memory_space<vmem>>, vector<128x1024xf32>
    %dot_general3A = arith.constant dense<0.000000e+00> : vector<400x1024xf32>
    %dot_general3A_16 = tpu.matmul %add3A_12, %get3A_15, %dot_general3A {dimension_numbers = #tpu.dot_dimension_numbers<[1], [0], [0], [1], [0, 0, 1, 1], [], []>, transpose_lhs_hint = false} : vector<400x128xf32>, vector<128x1024xf32>, vector<400x1024xf32> -> vector<400x1024xf32>
    %get3A_17 = arith.constant 0 : index
    %get3A_18 = arith.constant 0 : index
    %get3A_19 = vector.load %arg4[%get3A_17, %get3A_18] : memref<1x1024xf32, #tpu.memory_space<vmem>>, vector<1x1024xf32>
    %add3A_20 = vector.broadcast %get3A_19 : vector<1x1024xf32> to vector<400x1024xf32>
    %add3A_21 = arith.addf %dot_general3A_16, %add3A_20 : vector<400x1024xf32>
    %max3A = arith.constant 0.000000e+00 : f32
    %max3A_22 = vector.broadcast %max3A : f32 to vector<400x1024xf32>
    %max3A_23 = arith.maximumf %add3A_21, %max3A_22 : vector<400x1024xf32>
    %get3A_24 = arith.constant 0 : index
    %get3A_25 = arith.constant 0 : index
    %get3A_26 = vector.load %arg5[%get3A_24, %get3A_25] : memref<1024x1024xf32, #tpu.memory_space<vmem>>, vector<1024x1024xf32>
    %dot_general3A_27 = arith.constant dense<0.000000e+00> : vector<400x1024xf32>
    %dot_general3A_28 = tpu.matmul %max3A_23, %get3A_26, %dot_general3A_27 {dimension_numbers = #tpu.dot_dimension_numbers<[1], [0], [0], [1], [0, 0, 1, 1], [], []>, transpose_lhs_hint = false} : vector<400x1024xf32>, vector<1024x1024xf32>, vector<400x1024xf32> -> vector<400x1024xf32>
    %get3A_29 = arith.constant 0 : index
    %get3A_30 = arith.constant 0 : index
    %get3A_31 = vector.load %arg6[%get3A_29, %get3A_30] : memref<1x1024xf32, #tpu.memory_space<vmem>>, vector<1x1024xf32>
    %add3A_32 = vector.broadcast %get3A_31 : vector<1x1024xf32> to vector<400x1024xf32>
    %add3A_33 = arith.addf %dot_general3A_28, %add3A_32 : vector<400x1024xf32>
    %swap3A = arith.constant 0 : index
    %swap3A_34 = arith.constant 0 : index
    %swap3A_35 = vector.load %arg7[%swap3A, %swap3A_34] : memref<400x1024xf32, #tpu.memory_space<vmem>>, vector<400x1024xf32>
    tpu.vector_store %arg7[%swap3A, %swap3A_34], %add3A_33 {strides = array<i32>} : memref<400x1024xf32, #tpu.memory_space<vmem>>, vector<400x1024xf32>,
    %reduce_sum3A = arith.constant dense<0.000000e+00> : vector<1024xf32>
    %reduce_sum3A_36 = vector.multi_reduction <add>, %add3A_33, %reduce_sum3A [0] : vector<400x1024xf32> to vector<1024xf32>
    %broadcast_in_dim3A = vector.shape_cast %reduce_sum3A_36 : vector<1024xf32> to vector<1x1024xf32>
    %mul3A = arith.mulf %add3A_33, %add3A_33 : vector<400x1024xf32>
    %reduce_sum3A_37 = arith.constant dense<0.000000e+00> : vector<1024xf32>
    %reduce_sum3A_38 = vector.multi_reduction <add>, %mul3A, %reduce_sum3A_37 [0] : vector<400x1024xf32> to vector<1024xf32>
    %broadcast_in_dim3A_39 = vector.shape_cast %reduce_sum3A_38 : vector<1024xf32> to vector<1x1024xf32>
    %eq3A = arith.constant 0 : i32
    %eq3A_40 = arith.cmpi eq, %arg0, %eq3A : i32
    %convert_element_type3A = arith.extui %eq3A_40 : i1 to i32
    %cond3A = arith.constant 0 : i32
    %cond3A_41 = arith.cmpi ne, %convert_element_type3A, %cond3A : i32
    scf.if %cond3A_41 {
      %swap3A_46 = arith.constant 0 : index
      %swap3A_47 = arith.constant 0 : index
      %swap3A_48 = vector.load %arg8[%swap3A_46, %swap3A_47] : memref<1x1024xf32, #tpu.memory_space<vmem>>, vector<1x1024xf32>
      tpu.vector_store %arg8[%swap3A_46, %swap3A_47], %broadcast_in_dim3A {strides = array<i32>} : memref<1x1024xf32, #tpu.memory_space<vmem>>, vector<1x1024xf32>,
      %swap3A_49 = arith.constant 0 : index
      %swap3A_50 = arith.constant 0 : index
      %swap3A_51 = vector.load %arg9[%swap3A_49, %swap3A_50] : memref<1x1024xf32, #tpu.memory_space<vmem>>, vector<1x1024xf32>
      tpu.vector_store %arg9[%swap3A_49, %swap3A_50], %broadcast_in_dim3A_39 {strides = array<i32>} : memref<1x1024xf32, #tpu.memory_space<vmem>>, vector<1x1024xf32>,
    } else {
    }
    %gt3A = arith.constant 0 : i32
    %gt3A_42 = arith.cmpi sgt, %arg0, %gt3A : i32
    %convert_element_type3A_43 = arith.extui %gt3A_42 : i1 to i32
    %cond3A_44 = arith.constant 0 : i32
    %cond3A_45 = arith.cmpi ne, %convert_element_type3A_43, %cond3A_44 : i32
    scf.if %cond3A_45 {
      %get3A_46 = arith.constant 0 : index
      %get3A_47 = arith.constant 0 : index
      %get3A_48 = vector.load %arg8[%get3A_46, %get3A_47] : memref<1x1024xf32, #tpu.memory_space<vmem>>, vector<1x1024xf32>
      %add3A_49 = arith.addf %get3A_48, %broadcast_in_dim3A : vector<1x1024xf32>
      %swap3A_50 = arith.constant 0 : index
      %swap3A_51 = arith.constant 0 : index
      %swap3A_52 = vector.load %arg8[%swap3A_50, %swap3A_51] : memref<1x1024xf32, #tpu.memory_space<vmem>>, vector<1x1024xf32>
      tpu.vector_store %arg8[%swap3A_50, %swap3A_51], %add3A_49 {strides = array<i32>} : memref<1x1024xf32, #tpu.memory_space<vmem>>, vector<1x1024xf32>,
      %get3A_53 = arith.constant 0 : index
      %get3A_54 = arith.constant 0 : index
      %get3A_55 = vector.load %arg9[%get3A_53, %get3A_54] : memref<1x1024xf32, #tpu.memory_space<vmem>>, vector<1x1024xf32>
      %add3A_56 = arith.addf %get3A_55, %broadcast_in_dim3A_39 : vector<1x1024xf32>
      %swap3A_57 = arith.constant 0 : index
      %swap3A_58 = arith.constant 0 : index
      %swap3A_59 = vector.load %arg9[%swap3A_57, %swap3A_58] : memref<1x1024xf32, #tpu.memory_space<vmem>>, vector<1x1024xf32>
      tpu.vector_store %arg9[%swap3A_57, %swap3A_58], %add3A_56 {strides = array<i32>} : memref<1x1024xf32, #tpu.memory_space<vmem>>, vector<1x1024xf32>,
    } else {
    }
    return
  }
  func.func @transform_0(%arg0: i32) -> (i32, i32) {
    %c0_i32 = arith.constant 0 : i32
    %c0_i32_0 = arith.constant 0 : i32
    return %arg0, %c0_i32 : i32, i32
  }
  func.func @transform_1(%arg0: i32) -> (i32, i32, i32) {
    %c0_i32 = arith.constant 0 : i32
    %c0_i32_0 = arith.constant 0 : i32
    %c0_i32_1 = arith.constant 0 : i32
    return %c0_i32, %arg0, %c0_i32_0 : i32, i32, i32
  }
  func.func @transform_2(%arg0: i32) -> (i32, i32) {
    %c0_i32 = arith.constant 0 : i32
    %c0_i32_0 = arith.constant 0 : i32
    %c0_i32_1 = arith.constant 0 : i32
    return %c0_i32, %c0_i32_0 : i32, i32
  }
  func.func @transform_3(%arg0: i32) -> (i32, i32) {
    %c0_i32 = arith.constant 0 : i32
    %c0_i32_0 = arith.constant 0 : i32
    %c0_i32_1 = arith.constant 0 : i32
    return %c0_i32, %c0_i32_0 : i32, i32
  }
  func.func @transform_4(%arg0: i32) -> (i32, i32) {
    %c0_i32 = arith.constant 0 : i32
    %c0_i32_0 = arith.constant 0 : i32
    %c0_i32_1 = arith.constant 0 : i32
    return %c0_i32, %c0_i32_0 : i32, i32
  }
  func.func @transform_5(%arg0: i32) -> (i32, i32) {
    %c0_i32 = arith.constant 0 : i32
    %c0_i32_0 = arith.constant 0 : i32
    %c0_i32_1 = arith.constant 0 : i32
    return %c0_i32, %c0_i32_0 : i32, i32
  }
  func.func @transform_6(%arg0: i32) -> (i32, i32) {
    %c0_i32 = arith.constant 0 : i32
    %c0_i32_0 = arith.constant 0 : i32
    return %arg0, %c0_i32 : i32, i32
  }
  func.func @transform_7(%arg0: i32) -> (i32, i32) {
    %c0_i32 = arith.constant 0 : i32
    %c0_i32_0 = arith.constant 0 : i32
    %c0_i32_1 = arith.constant 0 : i32
    return %c0_i32, %c0_i32_0 : i32, i32
  }
  func.func @transform_8(%arg0: i32) -> (i32, i32) {
    %c0_i32 = arith.constant 0 : i32
    %c0_i32_0 = arith.constant 0 : i32
    %c0_i32_1 = arith.constant 0 : i32
    return %c0_i32, %c0_i32_0 : i32, i32
  }
}

module attributes {stable_mosaic.version = 14 : i64} {
  func.func @body(%arg0: i32, %arg1: memref<400x1024xf32, #tpu.memory_space<vmem>>, %arg2: memref<1x1024xf32, #tpu.memory_space<vmem>>, %arg3: memref<1x1024xf32, #tpu.memory_space<vmem>>, %arg4: memref<1x1024xf32, #tpu.memory_space<vmem>>, %arg5: memref<1x1024xf32, #tpu.memory_space<vmem>>, %arg6: memref<400x128xf32, #tpu.memory_space<vmem>>, %arg7: memref<400x128xf32, #tpu.memory_space<vmem>>, %arg8: memref<400x128xf32, #tpu.memory_space<vmem>>, %arg9: memref<400x128xf32, #tpu.memory_space<vmem>>, %arg10: memref<400x128xf32, #tpu.memory_space<vmem>>, %arg11: memref<400x128xf32, #tpu.memory_space<vmem>>, %arg12: memref<400x128xf32, #tpu.memory_space<vmem>>, %arg13: memref<400x128xf32, #tpu.memory_space<vmem>>) attributes {dimension_semantics = [#tpu.dimension_semantics<arbitrary>], iteration_bounds = array<i64: 25>, scalar_prefetch = 0 : i64, scratch_operands = 0 : i64, tpu.core_type = #tpu.core_type<tc>, window_params = [{transform_indices = @transform_0, window_bounds = array<i64: 400, 1024>}, {pipeline_mode = #tpu.pipeline_mode<synchronous>, transform_indices = @transform_1, window_bounds = array<i64: 1, 1024>}, {pipeline_mode = #tpu.pipeline_mode<synchronous>, transform_indices = @transform_2, window_bounds = array<i64: 1, 1024>}, {pipeline_mode = #tpu.pipeline_mode<synchronous>, transform_indices = @transform_3, window_bounds = array<i64: 1, 1024>}, {pipeline_mode = #tpu.pipeline_mode<synchronous>, transform_indices = @transform_4, window_bounds = array<i64: 1, 1024>}, {transform_indices = @transform_5, window_bounds = array<i64: 400, 128>}, {transform_indices = @transform_6, window_bounds = array<i64: 400, 128>}, {transform_indices = @transform_7, window_bounds = array<i64: 400, 128>}, {transform_indices = @transform_8, window_bounds = array<i64: 400, 128>}, {transform_indices = @transform_9, window_bounds = array<i64: 400, 128>}, {transform_indices = @transform_10, window_bounds = array<i64: 400, 128>}, {transform_indices = @transform_11, window_bounds = array<i64: 400, 128>}, {transform_indices = @transform_12, window_bounds = array<i64: 400, 128>}]} {
    %get3A = arith.constant 0 : index
    %get3A_0 = arith.constant 0 : index
    %get3A_1 = vector.load %arg2[%get3A, %get3A_0] : memref<1x1024xf32, #tpu.memory_space<vmem>>, vector<1x1024xf32>
    %div3A = arith.constant 1.000000e+04 : f32
    %div3A_2 = vector.broadcast %div3A : f32 to vector<1x1024xf32>
    %div3A_3 = arith.divf %get3A_1, %div3A_2 : vector<1x1024xf32>
    %get3A_4 = arith.constant 0 : index
    %get3A_5 = arith.constant 0 : index
    %get3A_6 = vector.load %arg3[%get3A_4, %get3A_5] : memref<1x1024xf32, #tpu.memory_space<vmem>>, vector<1x1024xf32>
    %div3A_7 = arith.constant 1.000000e+04 : f32
    %div3A_8 = vector.broadcast %div3A_7 : f32 to vector<1x1024xf32>
    %div3A_9 = arith.divf %get3A_6, %div3A_8 : vector<1x1024xf32>
    %mul3A = arith.mulf %div3A_3, %div3A_3 : vector<1x1024xf32>
    %sub3A = arith.subf %div3A_9, %mul3A : vector<1x1024xf32>
    %add3A = arith.constant 9.99999974E-6 : f32
    %add3A_10 = vector.broadcast %add3A : f32 to vector<1x1024xf32>
    %add3A_11 = arith.addf %sub3A, %add3A_10 : vector<1x1024xf32>
    %rsqrt3A = math.rsqrt %add3A_11 : vector<1x1024xf32>
    %get3A_12 = arith.constant 0 : index
    %get3A_13 = arith.constant 0 : index
    %get3A_14 = vector.load %arg4[%get3A_12, %get3A_13] : memref<1x1024xf32, #tpu.memory_space<vmem>>, vector<1x1024xf32>
    %mul3A_15 = arith.mulf %rsqrt3A, %get3A_14 : vector<1x1024xf32>
    %get3A_16 = arith.constant 0 : index
    %get3A_17 = arith.constant 0 : index
    %get3A_18 = vector.load %arg1[%get3A_16, %get3A_17] : memref<400x1024xf32, #tpu.memory_space<vmem>>, vector<400x1024xf32>
    %sub3A_19 = vector.broadcast %div3A_3 : vector<1x1024xf32> to vector<400x1024xf32>
    %sub3A_20 = arith.subf %get3A_18, %sub3A_19 : vector<400x1024xf32>
    %mul3A_21 = vector.broadcast %mul3A_15 : vector<1x1024xf32> to vector<400x1024xf32>
    %mul3A_22 = arith.mulf %sub3A_20, %mul3A_21 : vector<400x1024xf32>
    %get3A_23 = arith.constant 0 : index
    %get3A_24 = arith.constant 0 : index
    %get3A_25 = vector.load %arg5[%get3A_23, %get3A_24] : memref<1x1024xf32, #tpu.memory_space<vmem>>, vector<1x1024xf32>
    %add3A_26 = vector.broadcast %get3A_25 : vector<1x1024xf32> to vector<400x1024xf32>
    %add3A_27 = arith.addf %mul3A_22, %add3A_26 : vector<400x1024xf32>
    %max3A = arith.constant 0.000000e+00 : f32
    %max3A_28 = vector.broadcast %max3A : f32 to vector<400x1024xf32>
    %max3A_29 = arith.maximumf %add3A_27, %max3A_28 : vector<400x1024xf32>
    %slice3A = vector.extract_strided_slice %max3A_29 {offsets = [0, 0], sizes = [400, 128], strides = [1, 1]} : vector<400x1024xf32> to vector<400x128xf32>
    %swap3A = arith.constant 0 : index
    %swap3A_30 = arith.constant 0 : index
    %swap3A_31 = vector.load %arg6[%swap3A, %swap3A_30] : memref<400x128xf32, #tpu.memory_space<vmem>>, vector<400x128xf32>
    tpu.vector_store %arg6[%swap3A, %swap3A_30], %slice3A {strides = array<i32>} : memref<400x128xf32, #tpu.memory_space<vmem>>, vector<400x128xf32>,
    %slice3A_32 = vector.extract_strided_slice %max3A_29 {offsets = [0, 128], sizes = [400, 128], strides = [1, 1]} : vector<400x1024xf32> to vector<400x128xf32>
    %swap3A_33 = arith.constant 0 : index
    %swap3A_34 = arith.constant 0 : index
    %swap3A_35 = vector.load %arg7[%swap3A_33, %swap3A_34] : memref<400x128xf32, #tpu.memory_space<vmem>>, vector<400x128xf32>
    tpu.vector_store %arg7[%swap3A_33, %swap3A_34], %slice3A_32 {strides = array<i32>} : memref<400x128xf32, #tpu.memory_space<vmem>>, vector<400x128xf32>,
    %slice3A_36 = vector.extract_strided_slice %max3A_29 {offsets = [0, 256], sizes = [400, 128], strides = [1, 1]} : vector<400x1024xf32> to vector<400x128xf32>
    %swap3A_37 = arith.constant 0 : index
    %swap3A_38 = arith.constant 0 : index
    %swap3A_39 = vector.load %arg8[%swap3A_37, %swap3A_38] : memref<400x128xf32, #tpu.memory_space<vmem>>, vector<400x128xf32>
    tpu.vector_store %arg8[%swap3A_37, %swap3A_38], %slice3A_36 {strides = array<i32>} : memref<400x128xf32, #tpu.memory_space<vmem>>, vector<400x128xf32>,
    %slice3A_40 = vector.extract_strided_slice %max3A_29 {offsets = [0, 384], sizes = [400, 128], strides = [1, 1]} : vector<400x1024xf32> to vector<400x128xf32>
    %swap3A_41 = arith.constant 0 : index
    %swap3A_42 = arith.constant 0 : index
    %swap3A_43 = vector.load %arg9[%swap3A_41, %swap3A_42] : memref<400x128xf32, #tpu.memory_space<vmem>>, vector<400x128xf32>
    tpu.vector_store %arg9[%swap3A_41, %swap3A_42], %slice3A_40 {strides = array<i32>} : memref<400x128xf32, #tpu.memory_space<vmem>>, vector<400x128xf32>,
    %slice3A_44 = vector.extract_strided_slice %max3A_29 {offsets = [0, 512], sizes = [400, 128], strides = [1, 1]} : vector<400x1024xf32> to vector<400x128xf32>
    %swap3A_45 = arith.constant 0 : index
    %swap3A_46 = arith.constant 0 : index
    %swap3A_47 = vector.load %arg10[%swap3A_45, %swap3A_46] : memref<400x128xf32, #tpu.memory_space<vmem>>, vector<400x128xf32>
    tpu.vector_store %arg10[%swap3A_45, %swap3A_46], %slice3A_44 {strides = array<i32>} : memref<400x128xf32, #tpu.memory_space<vmem>>, vector<400x128xf32>,
    %slice3A_48 = vector.extract_strided_slice %max3A_29 {offsets = [0, 640], sizes = [400, 128], strides = [1, 1]} : vector<400x1024xf32> to vector<400x128xf32>
    %swap3A_49 = arith.constant 0 : index
    %swap3A_50 = arith.constant 0 : index
    %swap3A_51 = vector.load %arg11[%swap3A_49, %swap3A_50] : memref<400x128xf32, #tpu.memory_space<vmem>>, vector<400x128xf32>
    tpu.vector_store %arg11[%swap3A_49, %swap3A_50], %slice3A_48 {strides = array<i32>} : memref<400x128xf32, #tpu.memory_space<vmem>>, vector<400x128xf32>,
    %slice3A_52 = vector.extract_strided_slice %max3A_29 {offsets = [0, 768], sizes = [400, 128], strides = [1, 1]} : vector<400x1024xf32> to vector<400x128xf32>
    %swap3A_53 = arith.constant 0 : index
    %swap3A_54 = arith.constant 0 : index
    %swap3A_55 = vector.load %arg12[%swap3A_53, %swap3A_54] : memref<400x128xf32, #tpu.memory_space<vmem>>, vector<400x128xf32>
    tpu.vector_store %arg12[%swap3A_53, %swap3A_54], %slice3A_52 {strides = array<i32>} : memref<400x128xf32, #tpu.memory_space<vmem>>, vector<400x128xf32>,
    %slice3A_56 = vector.extract_strided_slice %max3A_29 {offsets = [0, 896], sizes = [400, 128], strides = [1, 1]} : vector<400x1024xf32> to vector<400x128xf32>
    %swap3A_57 = arith.constant 0 : index
    %swap3A_58 = arith.constant 0 : index
    %swap3A_59 = vector.load %arg13[%swap3A_57, %swap3A_58] : memref<400x128xf32, #tpu.memory_space<vmem>>, vector<400x128xf32>
    tpu.vector_store %arg13[%swap3A_57, %swap3A_58], %slice3A_56 {strides = array<i32>} : memref<400x128xf32, #tpu.memory_space<vmem>>, vector<400x128xf32>,
    return
  }
  func.func @transform_0(%arg0: i32) -> (i32, i32) {
    %c0_i32 = arith.constant 0 : i32
    %c0_i32_0 = arith.constant 0 : i32
    return %arg0, %c0_i32 : i32, i32
  }
  func.func @transform_1(%arg0: i32) -> (i32, i32) {
    %c0_i32 = arith.constant 0 : i32
    %c0_i32_0 = arith.constant 0 : i32
    %c0_i32_1 = arith.constant 0 : i32
    return %c0_i32, %c0_i32_0 : i32, i32
  }
  func.func @transform_2(%arg0: i32) -> (i32, i32) {
    %c0_i32 = arith.constant 0 : i32
    %c0_i32_0 = arith.constant 0 : i32
    %c0_i32_1 = arith.constant 0 : i32
    return %c0_i32, %c0_i32_0 : i32, i32
  }
  func.func @transform_3(%arg0: i32) -> (i32, i32) {
    %c0_i32 = arith.constant 0 : i32
    %c0_i32_0 = arith.constant 0 : i32
    %c0_i32_1 = arith.constant 0 : i32
    return %c0_i32, %c0_i32_0 : i32, i32
  }
  func.func @transform_4(%arg0: i32) -> (i32, i32) {
    %c0_i32 = arith.constant 0 : i32
    %c0_i32_0 = arith.constant 0 : i32
    %c0_i32_1 = arith.constant 0 : i32
    return %c0_i32, %c0_i32_0 : i32, i32
  }
  func.func @transform_5(%arg0: i32) -> (i32, i32) {
    %c0_i32 = arith.constant 0 : i32
    %c0_i32_0 = arith.constant 0 : i32
    return %arg0, %c0_i32 : i32, i32
  }
  func.func @transform_6(%arg0: i32) -> (i32, i32) {
    %c0_i32 = arith.constant 0 : i32
    %c0_i32_0 = arith.constant 0 : i32
    return %arg0, %c0_i32 : i32, i32
  }
  func.func @transform_7(%arg0: i32) -> (i32, i32) {
    %c0_i32 = arith.constant 0 : i32
    %c0_i32_0 = arith.constant 0 : i32
    return %arg0, %c0_i32 : i32, i32
  }
  func.func @transform_8(%arg0: i32) -> (i32, i32) {
    %c0_i32 = arith.constant 0 : i32
    %c0_i32_0 = arith.constant 0 : i32
    return %arg0, %c0_i32 : i32, i32
  }
  func.func @transform_9(%arg0: i32) -> (i32, i32) {
    %c0_i32 = arith.constant 0 : i32
    %c0_i32_0 = arith.constant 0 : i32
    return %arg0, %c0_i32 : i32, i32
  }
  func.func @transform_10(%arg0: i32) -> (i32, i32) {
    %c0_i32 = arith.constant 0 : i32
    %c0_i32_0 = arith.constant 0 : i32
    return %arg0, %c0_i32 : i32, i32
  }
  func.func @transform_11(%arg0: i32) -> (i32, i32) {
    %c0_i32 = arith.constant 0 : i32
    %c0_i32_0 = arith.constant 0 : i32
    return %arg0, %c0_i32 : i32, i32
  }
  func.func @transform_12(%arg0: i32) -> (i32, i32) {
    %c0_i32 = arith.constant 0 : i32
    %c0_i32_0 = arith.constant 0 : i32
    return %arg0, %c0_i32 : i32, i32
  }
}

module attributes {stable_mosaic.version = 14 : i64} {
  func.func @body(%arg0: i32, %arg1: memref<400x128xf32, #tpu.memory_space<vmem>>, %arg2: memref<400x128xf32, #tpu.memory_space<vmem>>, %arg3: memref<400x128xf32, #tpu.memory_space<vmem>>, %arg4: memref<400x128xf32, #tpu.memory_space<vmem>>, %arg5: memref<400x128xf32, #tpu.memory_space<vmem>>, %arg6: memref<400x128xf32, #tpu.memory_space<vmem>>, %arg7: memref<400x128xf32, #tpu.memory_space<vmem>>, %arg8: memref<400x128xf32, #tpu.memory_space<vmem>>, %arg9: memref<16x400x128xf32, #tpu.memory_space<vmem>>, %arg10: memref<1024x1024xf32, #tpu.memory_space<vmem>>, %arg11: memref<1x1024xf32, #tpu.memory_space<vmem>>, %arg12: memref<1024x1024xf32, #tpu.memory_space<vmem>>, %arg13: memref<1x1024xf32, #tpu.memory_space<vmem>>, %arg14: memref<400x1024xf32, #tpu.memory_space<vmem>>, %arg15: memref<1x1024xf32, #tpu.memory_space<vmem>>, %arg16: memref<1x1024xf32, #tpu.memory_space<vmem>>) attributes {dimension_semantics = [#tpu.dimension_semantics<arbitrary>], iteration_bounds = array<i64: 25>, scalar_prefetch = 0 : i64, scratch_operands = 0 : i64, tpu.core_type = #tpu.core_type<tc>, window_params = [{transform_indices = @transform_0, window_bounds = array<i64: 400, 128>}, {transform_indices = @transform_1, window_bounds = array<i64: 400, 128>}, {transform_indices = @transform_2, window_bounds = array<i64: 400, 128>}, {transform_indices = @transform_3, window_bounds = array<i64: 400, 128>}, {transform_indices = @transform_4, window_bounds = array<i64: 400, 128>}, {transform_indices = @transform_5, window_bounds = array<i64: 400, 128>}, {transform_indices = @transform_6, window_bounds = array<i64: 400, 128>}, {transform_indices = @transform_7, window_bounds = array<i64: 400, 128>}, {transform_indices = @transform_8, window_bounds = array<i64: 16, 400, 128>}, {pipeline_mode = #tpu.pipeline_mode<synchronous>, transform_indices = @transform_9, window_bounds = array<i64: 1024, 1024>}, {pipeline_mode = #tpu.pipeline_mode<synchronous>, transform_indices = @transform_10, window_bounds = array<i64: 1, 1024>}, {pipeline_mode = #tpu.pipeline_mode<synchronous>, transform_indices = @transform_11, window_bounds = array<i64: 1024, 1024>}, {pipeline_mode = #tpu.pipeline_mode<synchronous>, transform_indices = @transform_12, window_bounds = array<i64: 1, 1024>}, {transform_indices = @transform_13, window_bounds = array<i64: 400, 1024>}, {pipeline_mode = #tpu.pipeline_mode<synchronous>, transform_indices = @transform_14, window_bounds = array<i64: 1, 1024>}, {pipeline_mode = #tpu.pipeline_mode<synchronous>, transform_indices = @transform_15, window_bounds = array<i64: 1, 1024>}]} {
    %get3A = arith.constant 0 : index
    %get3A_0 = arith.constant 0 : index
    %get3A_1 = vector.load %arg1[%get3A, %get3A_0] : memref<400x128xf32, #tpu.memory_space<vmem>>, vector<400x128xf32>
    %get3A_2 = arith.constant 0 : index
    %get3A_3 = arith.constant 0 : index
    %get3A_4 = arith.constant 0 : index
    %get3A_5 = vector.load %arg9[%get3A_2, %get3A_3, %get3A_4] : memref<16x400x128xf32, #tpu.memory_space<vmem>>, vector<1x400x128xf32>
    %get3A_6 = vector.shape_cast %get3A_5 : vector<1x400x128xf32> to vector<400x128xf32>
    %add3A = arith.addf %get3A_1, %get3A_6 : vector<400x128xf32>
    %get3A_7 = arith.constant 8 : index
    %get3A_8 = arith.constant 0 : index
    %get3A_9 = arith.constant 0 : index
    %get3A_10 = vector.load %arg9[%get3A_7, %get3A_8, %get3A_9] : memref<16x400x128xf32, #tpu.memory_space<vmem>>, vector<1x400x128xf32>
    %get3A_11 = vector.shape_cast %get3A_10 : vector<1x400x128xf32> to vector<400x128xf32>
    %add3A_12 = arith.addf %add3A, %get3A_11 : vector<400x128xf32>
    %get3A_13 = arith.constant 0 : index
    %get3A_14 = arith.constant 0 : index
    %get3A_15 = vector.load %arg2[%get3A_13, %get3A_14] : memref<400x128xf32, #tpu.memory_space<vmem>>, vector<400x128xf32>
    %get3A_16 = arith.constant 1 : index
    %get3A_17 = arith.constant 0 : index
    %get3A_18 = arith.constant 0 : index
    %get3A_19 = vector.load %arg9[%get3A_16, %get3A_17, %get3A_18] : memref<16x400x128xf32, #tpu.memory_space<vmem>>, vector<1x400x128xf32>
    %get3A_20 = vector.shape_cast %get3A_19 : vector<1x400x128xf32> to vector<400x128xf32>
    %add3A_21 = arith.addf %get3A_15, %get3A_20 : vector<400x128xf32>
    %get3A_22 = arith.constant 9 : index
    %get3A_23 = arith.constant 0 : index
    %get3A_24 = arith.constant 0 : index
    %get3A_25 = vector.load %arg9[%get3A_22, %get3A_23, %get3A_24] : memref<16x400x128xf32, #tpu.memory_space<vmem>>, vector<1x400x128xf32>
    %get3A_26 = vector.shape_cast %get3A_25 : vector<1x400x128xf32> to vector<400x128xf32>
    %add3A_27 = arith.addf %add3A_21, %get3A_26 : vector<400x128xf32>
    %get3A_28 = arith.constant 0 : index
    %get3A_29 = arith.constant 0 : index
    %get3A_30 = vector.load %arg3[%get3A_28, %get3A_29] : memref<400x128xf32, #tpu.memory_space<vmem>>, vector<400x128xf32>
    %get3A_31 = arith.constant 2 : index
    %get3A_32 = arith.constant 0 : index
    %get3A_33 = arith.constant 0 : index
    %get3A_34 = vector.load %arg9[%get3A_31, %get3A_32, %get3A_33] : memref<16x400x128xf32, #tpu.memory_space<vmem>>, vector<1x400x128xf32>
    %get3A_35 = vector.shape_cast %get3A_34 : vector<1x400x128xf32> to vector<400x128xf32>
    %add3A_36 = arith.addf %get3A_30, %get3A_35 : vector<400x128xf32>
    %get3A_37 = arith.constant 10 : index
    %get3A_38 = arith.constant 0 : index
    %get3A_39 = arith.constant 0 : index
    %get3A_40 = vector.load %arg9[%get3A_37, %get3A_38, %get3A_39] : memref<16x400x128xf32, #tpu.memory_space<vmem>>, vector<1x400x128xf32>
    %get3A_41 = vector.shape_cast %get3A_40 : vector<1x400x128xf32> to vector<400x128xf32>
    %add3A_42 = arith.addf %add3A_36, %get3A_41 : vector<400x128xf32>
    %get3A_43 = arith.constant 0 : index
    %get3A_44 = arith.constant 0 : index
    %get3A_45 = vector.load %arg4[%get3A_43, %get3A_44] : memref<400x128xf32, #tpu.memory_space<vmem>>, vector<400x128xf32>
    %get3A_46 = arith.constant 3 : index
    %get3A_47 = arith.constant 0 : index
    %get3A_48 = arith.constant 0 : index
    %get3A_49 = vector.load %arg9[%get3A_46, %get3A_47, %get3A_48] : memref<16x400x128xf32, #tpu.memory_space<vmem>>, vector<1x400x128xf32>
    %get3A_50 = vector.shape_cast %get3A_49 : vector<1x400x128xf32> to vector<400x128xf32>
    %add3A_51 = arith.addf %get3A_45, %get3A_50 : vector<400x128xf32>
    %get3A_52 = arith.constant 11 : index
    %get3A_53 = arith.constant 0 : index
    %get3A_54 = arith.constant 0 : index
    %get3A_55 = vector.load %arg9[%get3A_52, %get3A_53, %get3A_54] : memref<16x400x128xf32, #tpu.memory_space<vmem>>, vector<1x400x128xf32>
    %get3A_56 = vector.shape_cast %get3A_55 : vector<1x400x128xf32> to vector<400x128xf32>
    %add3A_57 = arith.addf %add3A_51, %get3A_56 : vector<400x128xf32>
    %get3A_58 = arith.constant 0 : index
    %get3A_59 = arith.constant 0 : index
    %get3A_60 = vector.load %arg5[%get3A_58, %get3A_59] : memref<400x128xf32, #tpu.memory_space<vmem>>, vector<400x128xf32>
    %get3A_61 = arith.constant 4 : index
    %get3A_62 = arith.constant 0 : index
    %get3A_63 = arith.constant 0 : index
    %get3A_64 = vector.load %arg9[%get3A_61, %get3A_62, %get3A_63] : memref<16x400x128xf32, #tpu.memory_space<vmem>>, vector<1x400x128xf32>
    %get3A_65 = vector.shape_cast %get3A_64 : vector<1x400x128xf32> to vector<400x128xf32>
    %add3A_66 = arith.addf %get3A_60, %get3A_65 : vector<400x128xf32>
    %get3A_67 = arith.constant 12 : index
    %get3A_68 = arith.constant 0 : index
    %get3A_69 = arith.constant 0 : index
    %get3A_70 = vector.load %arg9[%get3A_67, %get3A_68, %get3A_69] : memref<16x400x128xf32, #tpu.memory_space<vmem>>, vector<1x400x128xf32>
    %get3A_71 = vector.shape_cast %get3A_70 : vector<1x400x128xf32> to vector<400x128xf32>
    %add3A_72 = arith.addf %add3A_66, %get3A_71 : vector<400x128xf32>
    %get3A_73 = arith.constant 0 : index
    %get3A_74 = arith.constant 0 : index
    %get3A_75 = vector.load %arg6[%get3A_73, %get3A_74] : memref<400x128xf32, #tpu.memory_space<vmem>>, vector<400x128xf32>
    %get3A_76 = arith.constant 5 : index
    %get3A_77 = arith.constant 0 : index
    %get3A_78 = arith.constant 0 : index
    %get3A_79 = vector.load %arg9[%get3A_76, %get3A_77, %get3A_78] : memref<16x400x128xf32, #tpu.memory_space<vmem>>, vector<1x400x128xf32>
    %get3A_80 = vector.shape_cast %get3A_79 : vector<1x400x128xf32> to vector<400x128xf32>
    %add3A_81 = arith.addf %get3A_75, %get3A_80 : vector<400x128xf32>
    %get3A_82 = arith.constant 13 : index
    %get3A_83 = arith.constant 0 : index
    %get3A_84 = arith.constant 0 : index
    %get3A_85 = vector.load %arg9[%get3A_82, %get3A_83, %get3A_84] : memref<16x400x128xf32, #tpu.memory_space<vmem>>, vector<1x400x128xf32>
    %get3A_86 = vector.shape_cast %get3A_85 : vector<1x400x128xf32> to vector<400x128xf32>
    %add3A_87 = arith.addf %add3A_81, %get3A_86 : vector<400x128xf32>
    %get3A_88 = arith.constant 0 : index
    %get3A_89 = arith.constant 0 : index
    %get3A_90 = vector.load %arg7[%get3A_88, %get3A_89] : memref<400x128xf32, #tpu.memory_space<vmem>>, vector<400x128xf32>
    %get3A_91 = arith.constant 6 : index
    %get3A_92 = arith.constant 0 : index
    %get3A_93 = arith.constant 0 : index
    %get3A_94 = vector.load %arg9[%get3A_91, %get3A_92, %get3A_93] : memref<16x400x128xf32, #tpu.memory_space<vmem>>, vector<1x400x128xf32>
    %get3A_95 = vector.shape_cast %get3A_94 : vector<1x400x128xf32> to vector<400x128xf32>
    %add3A_96 = arith.addf %get3A_90, %get3A_95 : vector<400x128xf32>
    %get3A_97 = arith.constant 14 : index
    %get3A_98 = arith.constant 0 : index
    %get3A_99 = arith.constant 0 : index
    %get3A_100 = vector.load %arg9[%get3A_97, %get3A_98, %get3A_99] : memref<16x400x128xf32, #tpu.memory_space<vmem>>, vector<1x400x128xf32>
    %get3A_101 = vector.shape_cast %get3A_100 : vector<1x400x128xf32> to vector<400x128xf32>
    %add3A_102 = arith.addf %add3A_96, %get3A_101 : vector<400x128xf32>
    %get3A_103 = arith.constant 0 : index
    %get3A_104 = arith.constant 0 : index
    %get3A_105 = vector.load %arg8[%get3A_103, %get3A_104] : memref<400x128xf32, #tpu.memory_space<vmem>>, vector<400x128xf32>
    %get3A_106 = arith.constant 7 : index
    %get3A_107 = arith.constant 0 : index
    %get3A_108 = arith.constant 0 : index
    %get3A_109 = vector.load %arg9[%get3A_106, %get3A_107, %get3A_108] : memref<16x400x128xf32, #tpu.memory_space<vmem>>, vector<1x400x128xf32>
    %get3A_110 = vector.shape_cast %get3A_109 : vector<1x400x128xf32> to vector<400x128xf32>
    %add3A_111 = arith.addf %get3A_105, %get3A_110 : vector<400x128xf32>
    %get3A_112 = arith.constant 15 : index
    %get3A_113 = arith.constant 0 : index
    %get3A_114 = arith.constant 0 : index
    %get3A_115 = vector.load %arg9[%get3A_112, %get3A_113, %get3A_114] : memref<16x400x128xf32, #tpu.memory_space<vmem>>, vector<1x400x128xf32>
    %get3A_116 = vector.shape_cast %get3A_115 : vector<1x400x128xf32> to vector<400x128xf32>
    %add3A_117 = arith.addf %add3A_111, %get3A_116 : vector<400x128xf32>
    %concatenate3A = tpu.concatenate %add3A_12, %add3A_27, %add3A_42, %add3A_57, %add3A_72, %add3A_87, %add3A_102, %add3A_117 in 1 : vector<400x128xf32>, vector<400x128xf32>, vector<400x128xf32>, vector<400x128xf32>, vector<400x128xf32>, vector<400x128xf32>, vector<400x128xf32>, vector<400x128xf32> -> vector<400x1024xf32>
    %get3A_118 = arith.constant 0 : index
    %get3A_119 = arith.constant 0 : index
    %get3A_120 = vector.load %arg10[%get3A_118, %get3A_119] : memref<1024x1024xf32, #tpu.memory_space<vmem>>, vector<1024x1024xf32>
    %dot_general3A = arith.constant dense<0.000000e+00> : vector<400x1024xf32>
    %dot_general3A_121 = tpu.matmul %concatenate3A, %get3A_120, %dot_general3A {dimension_numbers = #tpu.dot_dimension_numbers<[1], [0], [0], [1], [0, 0, 1, 1], [], []>, transpose_lhs_hint = false} : vector<400x1024xf32>, vector<1024x1024xf32>, vector<400x1024xf32> -> vector<400x1024xf32>
    %get3A_122 = arith.constant 0 : index
    %get3A_123 = arith.constant 0 : index
    %get3A_124 = vector.load %arg11[%get3A_122, %get3A_123] : memref<1x1024xf32, #tpu.memory_space<vmem>>, vector<1x1024xf32>
    %add3A_125 = vector.broadcast %get3A_124 : vector<1x1024xf32> to vector<400x1024xf32>
    %add3A_126 = arith.addf %dot_general3A_121, %add3A_125 : vector<400x1024xf32>
    %max3A = arith.constant 0.000000e+00 : f32
    %max3A_127 = vector.broadcast %max3A : f32 to vector<400x1024xf32>
    %max3A_128 = arith.maximumf %add3A_126, %max3A_127 : vector<400x1024xf32>
    %get3A_129 = arith.constant 0 : index
    %get3A_130 = arith.constant 0 : index
    %get3A_131 = vector.load %arg12[%get3A_129, %get3A_130] : memref<1024x1024xf32, #tpu.memory_space<vmem>>, vector<1024x1024xf32>
    %dot_general3A_132 = arith.constant dense<0.000000e+00> : vector<400x1024xf32>
    %dot_general3A_133 = tpu.matmul %max3A_128, %get3A_131, %dot_general3A_132 {dimension_numbers = #tpu.dot_dimension_numbers<[1], [0], [0], [1], [0, 0, 1, 1], [], []>, transpose_lhs_hint = false} : vector<400x1024xf32>, vector<1024x1024xf32>, vector<400x1024xf32> -> vector<400x1024xf32>
    %get3A_134 = arith.constant 0 : index
    %get3A_135 = arith.constant 0 : index
    %get3A_136 = vector.load %arg13[%get3A_134, %get3A_135] : memref<1x1024xf32, #tpu.memory_space<vmem>>, vector<1x1024xf32>
    %add3A_137 = vector.broadcast %get3A_136 : vector<1x1024xf32> to vector<400x1024xf32>
    %add3A_138 = arith.addf %dot_general3A_133, %add3A_137 : vector<400x1024xf32>
    %swap3A = arith.constant 0 : index
    %swap3A_139 = arith.constant 0 : index
    %swap3A_140 = vector.load %arg14[%swap3A, %swap3A_139] : memref<400x1024xf32, #tpu.memory_space<vmem>>, vector<400x1024xf32>
    tpu.vector_store %arg14[%swap3A, %swap3A_139], %add3A_138 {strides = array<i32>} : memref<400x1024xf32, #tpu.memory_space<vmem>>, vector<400x1024xf32>,
    %reduce_sum3A = arith.constant dense<0.000000e+00> : vector<1024xf32>
    %reduce_sum3A_141 = vector.multi_reduction <add>, %add3A_138, %reduce_sum3A [0] : vector<400x1024xf32> to vector<1024xf32>
    %broadcast_in_dim3A = vector.shape_cast %reduce_sum3A_141 : vector<1024xf32> to vector<1x1024xf32>
    %mul3A = arith.mulf %add3A_138, %add3A_138 : vector<400x1024xf32>
    %reduce_sum3A_142 = arith.constant dense<0.000000e+00> : vector<1024xf32>
    %reduce_sum3A_143 = vector.multi_reduction <add>, %mul3A, %reduce_sum3A_142 [0] : vector<400x1024xf32> to vector<1024xf32>
    %broadcast_in_dim3A_144 = vector.shape_cast %reduce_sum3A_143 : vector<1024xf32> to vector<1x1024xf32>
    %eq3A = arith.constant 0 : i32
    %eq3A_145 = arith.cmpi eq, %arg0, %eq3A : i32
    %convert_element_type3A = arith.extui %eq3A_145 : i1 to i32
    %cond3A = arith.constant 0 : i32
    %cond3A_146 = arith.cmpi ne, %convert_element_type3A, %cond3A : i32
    scf.if %cond3A_146 {
      %swap3A_151 = arith.constant 0 : index
      %swap3A_152 = arith.constant 0 : index
      %swap3A_153 = vector.load %arg15[%swap3A_151, %swap3A_152] : memref<1x1024xf32, #tpu.memory_space<vmem>>, vector<1x1024xf32>
      tpu.vector_store %arg15[%swap3A_151, %swap3A_152], %broadcast_in_dim3A {strides = array<i32>} : memref<1x1024xf32, #tpu.memory_space<vmem>>, vector<1x1024xf32>,
      %swap3A_154 = arith.constant 0 : index
      %swap3A_155 = arith.constant 0 : index
      %swap3A_156 = vector.load %arg16[%swap3A_154, %swap3A_155] : memref<1x1024xf32, #tpu.memory_space<vmem>>, vector<1x1024xf32>
      tpu.vector_store %arg16[%swap3A_154, %swap3A_155], %broadcast_in_dim3A_144 {strides = array<i32>} : memref<1x1024xf32, #tpu.memory_space<vmem>>, vector<1x1024xf32>,
    } else {
    }
    %gt3A = arith.constant 0 : i32
    %gt3A_147 = arith.cmpi sgt, %arg0, %gt3A : i32
    %convert_element_type3A_148 = arith.extui %gt3A_147 : i1 to i32
    %cond3A_149 = arith.constant 0 : i32
    %cond3A_150 = arith.cmpi ne, %convert_element_type3A_148, %cond3A_149 : i32
    scf.if %cond3A_150 {
      %get3A_151 = arith.constant 0 : index
      %get3A_152 = arith.constant 0 : index
      %get3A_153 = vector.load %arg15[%get3A_151, %get3A_152] : memref<1x1024xf32, #tpu.memory_space<vmem>>, vector<1x1024xf32>
      %add3A_154 = arith.addf %get3A_153, %broadcast_in_dim3A : vector<1x1024xf32>
      %swap3A_155 = arith.constant 0 : index
      %swap3A_156 = arith.constant 0 : index
      %swap3A_157 = vector.load %arg15[%swap3A_155, %swap3A_156] : memref<1x1024xf32, #tpu.memory_space<vmem>>, vector<1x1024xf32>
      tpu.vector_store %arg15[%swap3A_155, %swap3A_156], %add3A_154 {strides = array<i32>} : memref<1x1024xf32, #tpu.memory_space<vmem>>, vector<1x1024xf32>,
      %get3A_158 = arith.constant 0 : index
      %get3A_159 = arith.constant 0 : index
      %get3A_160 = vector.load %arg16[%get3A_158, %get3A_159] : memref<1x1024xf32, #tpu.memory_space<vmem>>, vector<1x1024xf32>
      %add3A_161 = arith.addf %get3A_160, %broadcast_in_dim3A_144 : vector<1x1024xf32>
      %swap3A_162 = arith.constant 0 : index
      %swap3A_163 = arith.constant 0 : index
      %swap3A_164 = vector.load %arg16[%swap3A_162, %swap3A_163] : memref<1x1024xf32, #tpu.memory_space<vmem>>, vector<1x1024xf32>
      tpu.vector_store %arg16[%swap3A_162, %swap3A_163], %add3A_161 {strides = array<i32>} : memref<1x1024xf32, #tpu.memory_space<vmem>>, vector<1x1024xf32>,
    } else {
    }
    return
  }
  func.func @transform_0(%arg0: i32) -> (i32, i32) {
    %c0_i32 = arith.constant 0 : i32
    %c0_i32_0 = arith.constant 0 : i32
    return %arg0, %c0_i32 : i32, i32
  }
  func.func @transform_1(%arg0: i32) -> (i32, i32) {
    %c0_i32 = arith.constant 0 : i32
    %c0_i32_0 = arith.constant 0 : i32
    return %arg0, %c0_i32 : i32, i32
  }
  func.func @transform_2(%arg0: i32) -> (i32, i32) {
    %c0_i32 = arith.constant 0 : i32
    %c0_i32_0 = arith.constant 0 : i32
    return %arg0, %c0_i32 : i32, i32
  }
  func.func @transform_3(%arg0: i32) -> (i32, i32) {
    %c0_i32 = arith.constant 0 : i32
    %c0_i32_0 = arith.constant 0 : i32
    return %arg0, %c0_i32 : i32, i32
  }
  func.func @transform_4(%arg0: i32) -> (i32, i32) {
    %c0_i32 = arith.constant 0 : i32
    %c0_i32_0 = arith.constant 0 : i32
    return %arg0, %c0_i32 : i32, i32
  }
  func.func @transform_5(%arg0: i32) -> (i32, i32) {
    %c0_i32 = arith.constant 0 : i32
    %c0_i32_0 = arith.constant 0 : i32
    return %arg0, %c0_i32 : i32, i32
  }
  func.func @transform_6(%arg0: i32) -> (i32, i32) {
    %c0_i32 = arith.constant 0 : i32
    %c0_i32_0 = arith.constant 0 : i32
    return %arg0, %c0_i32 : i32, i32
  }
  func.func @transform_7(%arg0: i32) -> (i32, i32) {
    %c0_i32 = arith.constant 0 : i32
    %c0_i32_0 = arith.constant 0 : i32
    return %arg0, %c0_i32 : i32, i32
  }
  func.func @transform_8(%arg0: i32) -> (i32, i32, i32) {
    %c0_i32 = arith.constant 0 : i32
    %c0_i32_0 = arith.constant 0 : i32
    %c0_i32_1 = arith.constant 0 : i32
    return %c0_i32, %arg0, %c0_i32_0 : i32, i32, i32
  }
  func.func @transform_9(%arg0: i32) -> (i32, i32) {
    %c0_i32 = arith.constant 0 : i32
    %c0_i32_0 = arith.constant 0 : i32
    %c0_i32_1 = arith.constant 0 : i32
    return %c0_i32, %c0_i32_0 : i32, i32
  }
  func.func @transform_10(%arg0: i32) -> (i32, i32) {
    %c0_i32 = arith.constant 0 : i32
    %c0_i32_0 = arith.constant 0 : i32
    %c0_i32_1 = arith.constant 0 : i32
    return %c0_i32, %c0_i32_0 : i32, i32
  }
  func.func @transform_11(%arg0: i32) -> (i32, i32) {
    %c0_i32 = arith.constant 0 : i32
    %c0_i32_0 = arith.constant 0 : i32
    %c0_i32_1 = arith.constant 0 : i32
    return %c0_i32, %c0_i32_0 : i32, i32
  }
  func.func @transform_12(%arg0: i32) -> (i32, i32) {
    %c0_i32 = arith.constant 0 : i32
    %c0_i32_0 = arith.constant 0 : i32
    %c0_i32_1 = arith.constant 0 : i32
    return %c0_i32, %c0_i32_0 : i32, i32
  }
  func.func @transform_13(%arg0: i32) -> (i32, i32) {
    %c0_i32 = arith.constant 0 : i32
    %c0_i32_0 = arith.constant 0 : i32
    return %arg0, %c0_i32 : i32, i32
  }
  func.func @transform_14(%arg0: i32) -> (i32, i32) {
    %c0_i32 = arith.constant 0 : i32
    %c0_i32_0 = arith.constant 0 : i32
    %c0_i32_1 = arith.constant 0 : i32
    return %c0_i32, %c0_i32_0 : i32, i32
  }
  func.func @transform_15(%arg0: i32) -> (i32, i32) {
    %c0_i32 = arith.constant 0 : i32
    %c0_i32_0 = arith.constant 0 : i32
    %c0_i32_1 = arith.constant 0 : i32
    return %c0_i32, %c0_i32_0 : i32, i32
  }
}

module attributes {stable_mosaic.version = 14 : i64} {
  func.func @body(%arg0: i32, %arg1: memref<400x1024xf32, #tpu.memory_space<vmem>>, %arg2: memref<1x1024xf32, #tpu.memory_space<vmem>>, %arg3: memref<1x1024xf32, #tpu.memory_space<vmem>>, %arg4: memref<1x1024xf32, #tpu.memory_space<vmem>>, %arg5: memref<1x1024xf32, #tpu.memory_space<vmem>>, %arg6: memref<1024x512xf32, #tpu.memory_space<vmem>>, %arg7: memref<1x512xf32, #tpu.memory_space<vmem>>, %arg8: memref<512x10xf32, #tpu.memory_space<vmem>>, %arg9: memref<1x10xf32, #tpu.memory_space<vmem>>, %arg10: memref<400x10xf32, #tpu.memory_space<vmem>>) attributes {dimension_semantics = [#tpu.dimension_semantics<arbitrary>], iteration_bounds = array<i64: 25>, scalar_prefetch = 0 : i64, scratch_operands = 0 : i64, tpu.core_type = #tpu.core_type<tc>, window_params = [{transform_indices = @transform_0, window_bounds = array<i64: 400, 1024>}, {pipeline_mode = #tpu.pipeline_mode<synchronous>, transform_indices = @transform_1, window_bounds = array<i64: 1, 1024>}, {pipeline_mode = #tpu.pipeline_mode<synchronous>, transform_indices = @transform_2, window_bounds = array<i64: 1, 1024>}, {pipeline_mode = #tpu.pipeline_mode<synchronous>, transform_indices = @transform_3, window_bounds = array<i64: 1, 1024>}, {pipeline_mode = #tpu.pipeline_mode<synchronous>, transform_indices = @transform_4, window_bounds = array<i64: 1, 1024>}, {pipeline_mode = #tpu.pipeline_mode<synchronous>, transform_indices = @transform_5, window_bounds = array<i64: 1024, 512>}, {pipeline_mode = #tpu.pipeline_mode<synchronous>, transform_indices = @transform_6, window_bounds = array<i64: 1, 512>}, {pipeline_mode = #tpu.pipeline_mode<synchronous>, transform_indices = @transform_7, window_bounds = array<i64: 512, 10>}, {pipeline_mode = #tpu.pipeline_mode<synchronous>, transform_indices = @transform_8, window_bounds = array<i64: 1, 10>}, {transform_indices = @transform_9, window_bounds = array<i64: 400, 10>}]} {
    %get3A = arith.constant 0 : index
    %get3A_0 = arith.constant 0 : index
    %get3A_1 = vector.load %arg2[%get3A, %get3A_0] : memref<1x1024xf32, #tpu.memory_space<vmem>>, vector<1x1024xf32>
    %div3A = arith.constant 1.000000e+04 : f32
    %div3A_2 = vector.broadcast %div3A : f32 to vector<1x1024xf32>
    %div3A_3 = arith.divf %get3A_1, %div3A_2 : vector<1x1024xf32>
    %get3A_4 = arith.constant 0 : index
    %get3A_5 = arith.constant 0 : index
    %get3A_6 = vector.load %arg3[%get3A_4, %get3A_5] : memref<1x1024xf32, #tpu.memory_space<vmem>>, vector<1x1024xf32>
    %div3A_7 = arith.constant 1.000000e+04 : f32
    %div3A_8 = vector.broadcast %div3A_7 : f32 to vector<1x1024xf32>
    %div3A_9 = arith.divf %get3A_6, %div3A_8 : vector<1x1024xf32>
    %mul3A = arith.mulf %div3A_3, %div3A_3 : vector<1x1024xf32>
    %sub3A = arith.subf %div3A_9, %mul3A : vector<1x1024xf32>
    %add3A = arith.constant 9.99999974E-6 : f32
    %add3A_10 = vector.broadcast %add3A : f32 to vector<1x1024xf32>
    %add3A_11 = arith.addf %sub3A, %add3A_10 : vector<1x1024xf32>
    %rsqrt3A = math.rsqrt %add3A_11 : vector<1x1024xf32>
    %get3A_12 = arith.constant 0 : index
    %get3A_13 = arith.constant 0 : index
    %get3A_14 = vector.load %arg4[%get3A_12, %get3A_13] : memref<1x1024xf32, #tpu.memory_space<vmem>>, vector<1x1024xf32>
    %mul3A_15 = arith.mulf %rsqrt3A, %get3A_14 : vector<1x1024xf32>
    %get3A_16 = arith.constant 0 : index
    %get3A_17 = arith.constant 0 : index
    %get3A_18 = vector.load %arg1[%get3A_16, %get3A_17] : memref<400x1024xf32, #tpu.memory_space<vmem>>, vector<400x1024xf32>
    %sub3A_19 = vector.broadcast %div3A_3 : vector<1x1024xf32> to vector<400x1024xf32>
    %sub3A_20 = arith.subf %get3A_18, %sub3A_19 : vector<400x1024xf32>
    %mul3A_21 = vector.broadcast %mul3A_15 : vector<1x1024xf32> to vector<400x1024xf32>
    %mul3A_22 = arith.mulf %sub3A_20, %mul3A_21 : vector<400x1024xf32>
    %get3A_23 = arith.constant 0 : index
    %get3A_24 = arith.constant 0 : index
    %get3A_25 = vector.load %arg5[%get3A_23, %get3A_24] : memref<1x1024xf32, #tpu.memory_space<vmem>>, vector<1x1024xf32>
    %add3A_26 = vector.broadcast %get3A_25 : vector<1x1024xf32> to vector<400x1024xf32>
    %add3A_27 = arith.addf %mul3A_22, %add3A_26 : vector<400x1024xf32>
    %max3A = arith.constant 0.000000e+00 : f32
    %max3A_28 = vector.broadcast %max3A : f32 to vector<400x1024xf32>
    %max3A_29 = arith.maximumf %add3A_27, %max3A_28 : vector<400x1024xf32>
    %get3A_30 = arith.constant 0 : index
    %get3A_31 = arith.constant 0 : index
    %get3A_32 = vector.load %arg6[%get3A_30, %get3A_31] : memref<1024x512xf32, #tpu.memory_space<vmem>>, vector<1024x512xf32>
    %dot_general3A = arith.constant dense<0.000000e+00> : vector<400x512xf32>
    %dot_general3A_33 = tpu.matmul %max3A_29, %get3A_32, %dot_general3A {dimension_numbers = #tpu.dot_dimension_numbers<[1], [0], [0], [1], [0, 0, 1, 1], [], []>, transpose_lhs_hint = false} : vector<400x1024xf32>, vector<1024x512xf32>, vector<400x512xf32> -> vector<400x512xf32>
    %get3A_34 = arith.constant 0 : index
    %get3A_35 = arith.constant 0 : index
    %get3A_36 = vector.load %arg7[%get3A_34, %get3A_35] : memref<1x512xf32, #tpu.memory_space<vmem>>, vector<1x512xf32>
    %add3A_37 = vector.broadcast %get3A_36 : vector<1x512xf32> to vector<400x512xf32>
    %add3A_38 = arith.addf %dot_general3A_33, %add3A_37 : vector<400x512xf32>
    %max3A_39 = arith.constant 0.000000e+00 : f32
    %max3A_40 = vector.broadcast %max3A_39 : f32 to vector<400x512xf32>
    %max3A_41 = arith.maximumf %add3A_38, %max3A_40 : vector<400x512xf32>
    %get3A_42 = arith.constant 0 : index
    %get3A_43 = arith.constant 0 : index
    %get3A_44 = vector.load %arg8[%get3A_42, %get3A_43] : memref<512x10xf32, #tpu.memory_space<vmem>>, vector<512x10xf32>
    %dot_general3A_45 = arith.constant dense<0.000000e+00> : vector<400x10xf32>
    %dot_general3A_46 = tpu.matmul %max3A_41, %get3A_44, %dot_general3A_45 {dimension_numbers = #tpu.dot_dimension_numbers<[1], [0], [0], [1], [0, 0, 1, 1], [], []>, transpose_lhs_hint = false} : vector<400x512xf32>, vector<512x10xf32>, vector<400x10xf32> -> vector<400x10xf32>
    %get3A_47 = arith.constant 0 : index
    %get3A_48 = arith.constant 0 : index
    %get3A_49 = vector.load %arg9[%get3A_47, %get3A_48] : memref<1x10xf32, #tpu.memory_space<vmem>>, vector<1x10xf32>
    %add3A_50 = vector.broadcast %get3A_49 : vector<1x10xf32> to vector<400x10xf32>
    %add3A_51 = arith.addf %dot_general3A_46, %add3A_50 : vector<400x10xf32>
    %swap3A = arith.constant 0 : index
    %swap3A_52 = arith.constant 0 : index
    %swap3A_53 = vector.load %arg10[%swap3A, %swap3A_52] : memref<400x10xf32, #tpu.memory_space<vmem>>, vector<400x10xf32>
    tpu.vector_store %arg10[%swap3A, %swap3A_52], %add3A_51 {strides = array<i32>} : memref<400x10xf32, #tpu.memory_space<vmem>>, vector<400x10xf32>,
    return
  }
  func.func @transform_0(%arg0: i32) -> (i32, i32) {
    %c0_i32 = arith.constant 0 : i32
    %c0_i32_0 = arith.constant 0 : i32
    return %arg0, %c0_i32 : i32, i32
  }
  func.func @transform_1(%arg0: i32) -> (i32, i32) {
    %c0_i32 = arith.constant 0 : i32
    %c0_i32_0 = arith.constant 0 : i32
    %c0_i32_1 = arith.constant 0 : i32
    return %c0_i32, %c0_i32_0 : i32, i32
  }
  func.func @transform_2(%arg0: i32) -> (i32, i32) {
    %c0_i32 = arith.constant 0 : i32
    %c0_i32_0 = arith.constant 0 : i32
    %c0_i32_1 = arith.constant 0 : i32
    return %c0_i32, %c0_i32_0 : i32, i32
  }
  func.func @transform_3(%arg0: i32) -> (i32, i32) {
    %c0_i32 = arith.constant 0 : i32
    %c0_i32_0 = arith.constant 0 : i32
    %c0_i32_1 = arith.constant 0 : i32
    return %c0_i32, %c0_i32_0 : i32, i32
  }
  func.func @transform_4(%arg0: i32) -> (i32, i32) {
    %c0_i32 = arith.constant 0 : i32
    %c0_i32_0 = arith.constant 0 : i32
    %c0_i32_1 = arith.constant 0 : i32
    return %c0_i32, %c0_i32_0 : i32, i32
  }
  func.func @transform_5(%arg0: i32) -> (i32, i32) {
    %c0_i32 = arith.constant 0 : i32
    %c0_i32_0 = arith.constant 0 : i32
    %c0_i32_1 = arith.constant 0 : i32
    return %c0_i32, %c0_i32_0 : i32, i32
  }
  func.func @transform_6(%arg0: i32) -> (i32, i32) {
    %c0_i32 = arith.constant 0 : i32
    %c0_i32_0 = arith.constant 0 : i32
    %c0_i32_1 = arith.constant 0 : i32
    return %c0_i32, %c0_i32_0 : i32, i32
  }
  func.func @transform_7(%arg0: i32) -> (i32, i32) {
    %c0_i32 = arith.constant 0 : i32
    %c0_i32_0 = arith.constant 0 : i32
    %c0_i32_1 = arith.constant 0 : i32
    return %c0_i32, %c0_i32_0 : i32, i32
  }
  func.func @transform_8(%arg0: i32) -> (i32, i32) {
    %c0_i32 = arith.constant 0 : i32
    %c0_i32_0 = arith.constant 0 : i32
    %c0_i32_1 = arith.constant 0 : i32
    return %c0_i32, %c0_i32_0 : i32, i32
  }
  func.func @transform_9(%arg0: i32) -> (i32, i32) {
    %c0_i32 = arith.constant 0 : i32
    %c0_i32_0 = arith.constant 0 : i32
    return %arg0, %c0_i32 : i32, i32
  }
}

</mosaic_0001>

<sc_bundles>
// kernel: kernel.11.cloned.1.call-start
scs
__scs_entry_jumppad:
0x0: {  	(pc) =	sbr.rel $0x88, $3  }
0x1: {  	(tag) =	ssettag $0x0;
	lr =	simm.s32 $0x1  }
0x2: {  	[smem:$0x3F8F] =	sst lr;
	_ =	strace $0xD0000000  }
0x3: {  	_ = 	snop  }
0x4: {  	_ = 	snop  }
0x5: {  	_ = 	snop  }
0x6: {  	_ = 	snop  }
0x7: {  	_ = 	snop  }
__scs_overlays_trampoline_lowered:
0x8: {  	[smem:$0x3F9E] =	sst s0  }
0x9: {  	[smem:$0x3F9F] =	sst s1  }
0xa: {  	[smem:$0x3FA0] =	sst s2  }
0xb: {  	[smem:$0x3FA1] =	sst s3  }
0xc: {  	[smem:$0x3FA2] =	sst s4  }
0xd: {  	[smem:$0x3FA3] =	sst s5  }
0xe: {  	[smem:$0x3FA4] =	sst s6  }
0xf: {  	[smem:$0x3FA5] =	sst s7  }
0x10: {  	[smem:$0x3FA6] =	sst s8  }
0x11: {  	[smem:$0x3FA7] =	sst s9;
	s0 =	simm.s32 @!p0 $0x0  }
0x12: {  	s1 =	sld [smem:$0x3F8D];
	s0 =	simm.s32 @p0 $0x1  }
0x13: {  	[smem:$0x3FA8] =	sst s0;
	s0 =	simm.s32 @!p1 $0x0  }
0x14: {  	s2 =	sld [smem:$0x3F8C];
	s0 =	simm.s32 @p1 $0x1  }
0x15: {  	[smem:$0x3FA9] =	sst s0;
	s0 =	simm.s32 @!p2 $0x0  }
0x16: {  	s3 =	sld [smem:$0x3FDB];
	s0 =	simm.s32 @p2 $0x1  }
0x17: {  	s4 =	simm.s32 $0x1BF5;
	[smem:$0x3FAB] =	sst s0  }
0x18: {  	s0 =	sld [smem:$0x3F8E];
	_ =	swait.ge [sflag:s4], $0x0  }
0x19: {  	s7 =	sld [smem:$0x3F8F]  }
0x1a: {  	s8 =	sadd.s32 $0xFFFFE003, lr  }
0x1b: {  	s9 =	sadd.s32 $0xFFFFFEF7, lr;
	s5 =	simm.s32 $0xFFFFFFFF;
	p2 =	slt.u32 s8, $0xFFFFF086  }
0x1c: {  	p1 =	slt.u32 s9, $0xF7A;
	s5 =	simm.s32 @!p2 $0x0  }
0x1d: {  	s5 =	simm.s32 @p1 $0x1;
	p0 =	seq.s32 s7, s2  }
0x1e: {  	s7 =	smul.u32 @!p0 $0xF7A, s2;
	p2 =	seq.s32 @!p0 s5, $0x0  }
0x1f: {  	s9 =	smul.u32 $0xF7A, s1;
	s8 =	simm.s32 @!p0 $0x1BF5;
	p2 =	por !p2, p0  }
0x20: {  	[sflag:s8] =	ssyncset.s32 @!p0 $0xFFFFF086;
	s6 =	sadd.s32 @!p0 s3, s7;
	s7 =	simm.s32 @!p0 $0x108  }
0x21: {  	s3 =	sadd.s32 s3, s9;
	s6 =	sadd.s32 @!p0 $0x88, s6;
	s7 =	simm.s32 @p2 $0x1082  }
0x22: {  	[simem:s7], [sflag:s8] =	dma.local @!p0 [hbm:s6], $0xF7A  }
0x23: {  	s9 =	sor.u32 $0xD0000000, s2;
	s6 =	simm.s32 $0x108;
	_ =	swait.ge @!p0 [sflag:s8], $0x0  }
0x24: {  	s3 =	sadd.s32 $0x88, s3;
	s6 =	simm.s32 @!p1 $0x1082;
	[sflag:s4] =	ssyncset.s32 $0xFFFFF086  }
0x25: {  	[simem:s6], [sflag:s4] =	dma.local [hbm:s3], $0xF7A  }
0x26: {  	[smem:$0x3F8F] =	sst s1;
	(tag) =	ssettag s2;
	_ =	strace s9  }
0x27: {  	s1 =	sld [smem:$0x3F9F]  }
0x28: {  	s2 =	sld [smem:$0x3FA0]  }
0x29: {  	s4 =	sld [smem:$0x3FA2]  }
0x2a: {  	p0 =	seq.s32 s5, $0x0;
	s5 =	sld [smem:$0x3FA3]  }
0x2b: {  	s6 =	sld [smem:$0x3FA4]  }
0x2c: {  	s7 =	sld [smem:$0x3FA5]  }
0x2d: {  	s3 =	simm.s32 $0x108;
	s8 =	sld [smem:$0x3FA6]  }
0x2e: {  	s3 =	simm.s32 @!p0 $0x1082;
	s9 =	sld [smem:$0x3FA7]  }
0x2f: {  	lr =	sadd.s32 s0, s3;
	s0 =	sld [smem:$0x3F9E]  }
0x30: {  	s3 =	sld [smem:$0x3FA1]  }
0x31: {  	[smem:$0x3FAA] =	sst s10  }
0x32: {  	s10 =	sld [smem:$0x3FA8];
	_ =	sdelay $0x3  }
0x33: {  	p0 =	seq.s32 s10, $0x1;
	s10 =	sld [smem:$0x3FAA];
	_ =	sdelay $0x3  }
0x34: {  	[smem:$0x3FAA] =	sst s10  }
0x35: {  	s10 =	sld [smem:$0x3FA9];
	_ =	sdelay $0x3  }
0x36: {  	p1 =	seq.s32 s10, $0x1;
	s10 =	sld [smem:$0x3FAA];
	_ =	sdelay $0x3  }
0x37: {  	[smem:$0x3FAA] =	sst s10  }
0x38: {  	s10 =	sld [smem:$0x3FAB]  }
0x39: {  	_ = 	snop;
	(pc) =	sbr.ind lr, $3  }
0x3a: {  	_ = 	snop  }
0x3b: {  	_ = 	snop  }
0x3c: {  	p2 =	seq.s32 s10, $0x1;
	s10 =	sld [smem:$0x3FAA]  }
0x3d: {  	_ =	shalt  }
0x3e: {  	_ =	shalt  }
0x3f: {  	_ =	shalt  }
0x40: {  	_ =	shalt  }
0x41: {  	_ =	shalt  }
0x42: {  	_ =	shalt  }
0x43: {  	_ =	shalt  }
0x44: {  	_ =	shalt  }
0x45: {  	_ =	shalt  }
0x46: {  	_ =	shalt  }
0x47: {  	_ =	shalt  }
0x48: {  	_ =	shalt  }
0x49: {  	_ =	shalt  }
0x4a: {  	_ =	shalt  }
0x4b: {  	_ =	shalt  }
0x4c: {  	_ =	shalt  }
0x4d: {  	_ =	shalt  }
0x4e: {  	_ =	shalt  }
0x4f: {  	_ =	shalt  }
0x50: {  	_ =	shalt  }
0x51: {  	_ =	shalt  }
0x52: {  	_ =	shalt  }
0x53: {  	_ =	shalt  }
0x54: {  	_ =	shalt  }
0x55: {  	_ =	shalt  }
0x56: {  	_ =	shalt  }
0x57: {  	_ =	shalt  }
0x58: {  	_ =	shalt  }
0x59: {  	_ =	shalt  }
0x5a: {  	_ =	shalt  }
0x5b: {  	_ =	shalt  }
0x5c: {  	_ =	shalt  }
0x5d: {  	_ =	shalt  }
0x5e: {  	_ =	shalt  }
0x5f: {  	_ =	shalt  }
0x60: {  	_ =	shalt  }
0x61: {  	_ =	shalt  }
0x62: {  	_ =	shalt  }
0x63: {  	_ =	shalt  }
0x64: {  	_ =	shalt  }
0x65: {  	_ =	shalt  }
0x66: {  	_ =	shalt  }
0x67: {  	_ =	shalt  }
0x68: {  	_ =	shalt  }
0x69: {  	_ =	shalt  }
0x6a: {  	_ =	shalt  }
0x6b: {  	_ =	shalt  }
0x6c: {  	_ =	shalt  }
0x6d: {  	_ =	shalt  }
0x6e: {  	_ =	shalt  }
0x6f: {  	_ =	shalt  }
0x70: {  	_ =	shalt  }
0x71: {  	_ =	shalt  }
0x72: {  	_ =	shalt  }
0x73: {  	_ =	shalt  }
0x74: {  	_ =	shalt  }
0x75: {  	_ =	shalt  }
0x76: {  	_ =	shalt  }
0x77: {  	_ =	shalt  }
0x78: {  	_ =	shalt  }
0x79: {  	_ =	shalt  }
0x7a: {  	_ =	shalt  }
0x7b: {  	_ =	shalt  }
0x7c: {  	_ =	shalt  }
0x7d: {  	_ =	shalt  }
0x7e: {  	_ =	shalt  }
0x7f: {  	_ =	shalt  }
0x80: {  	_ =	shalt  }
0x81: {  	_ =	shalt  }
0x82: {  	_ =	shalt  }
0x83: {  	_ =	shalt  }
0x84: {  	_ =	shalt  }
0x85: {  	_ =	shalt  }
0x86: {  	_ =	shalt  }
0x87: {  	_ =	shalt  }
.Lfunc_end0:
.L_simem_size_0:
called_computation.1_lowered:
.L_overlay_start_0:
0x88: {  	s2 =	sld [smem:$0x3FD9]  }
0x89: {  	s3 =	sld [smem:$0x3FFE];
	_ =	sdelay $0x1  }
0x8a: {  	s1 =	srdreg.scid  }
0x8b: {  	s0 =	sand.u32 $0x1, s1  }
0x8c: {  	s17 =	sshll.u32 s0, $0xA;
	s2 =	sadd.s32 s3, s2  }
0x8d: {  	s2 =	sadd.s32 s2, s17  }
0x8e: {  	[smem:$0x3FB6] =	sst s2  }
0x8f: {  	_ = 	snop  }
0x90: {  	s2 =	sld [smem:$0x3FD0];
	(tm) =	ssettm $0x1  }
0x91: {  	s18 =	sld [smem:$0x3FFB];
	_ =	sdelay $0x3  }
0x92: {  	_ =	strace s18  }
0x93: {  	s3 =	sld [smem:$0x3FFC];
	_ =	sdelay $0x3  }
0x94: {  	_ =	strace s3  }
0x95: {  	s3 =	sld [smem:$0x3FFD];
	_ =	sdelay $0x3  }
0x96: {  	_ =	strace s3  }
0x97: {  	_ =	strace $0x8FFFFFFF  }
0x98: {  	s19 =	sld [smem:$0x3FDB];
	_ =	sdelay $0x1  }
0x99: {  	s4 =	simm.s32 $_scs_section_size  }
0x9a: {  	s5 =	simm.s32 $_size__tile_overlayer_lowered;
	s6 =	simm.s32 $_tile_overlayer_lowered  }
0x9b: {  	s22 =	simm.s32 $0x1BFF;
	s21 =	sshll.u32 s6, $0x1;
	s3 =	sadd.s32 s4, s19  }
0x9c: {  	s7 =	simm.s32 $0x0;
	s20 =	sshll.u32 s5, $0x1;
	s5 =	sadd.s32 s21, s3  }
0x9d: {  	[timem:s7], [sflag:s22] =	dma.local [hbm:s5], s20  }
0x9e: {  	_ =	swait.ge [sflag:s22], s20  }
0x9f: {  	s4 =	ssub.s32 $0x0, s20;
	[sflag:s22] =	ssyncset.done $0x0  }
0xa0: {  	[sflag:s22] =	ssyncadd.s32 s4;
	_ =	sdelay $0x1  }
0xa1: {  	s23 =	simm.s32 $0x1B8B  }
0xa2: {  	_ =	swait.ge [sflag:s23], $0x1  }
0xa3: {  	[sflag:s23] =	ssyncset.done $0x0  }
0xa4: {  	s25 =	simm.s32 $0x1B8E;
	s24 =	sld [smem:$0x3FFE];
	[sflag:s23] =	ssyncadd.s32 $0xFFFFFFFF  }
0xa5: {  	s26 =	simm.s32 $execute0_lowered;
	[smem:$0x3FD2] =	sst s25  }
0xa6: {  	s5 =	sshll.u32 s26, $0x1;
	_ =	strace $0x80000049;
	[dreg:$0x1] =	wrdreg $0xFFFFFFFF  }
0xa7: {  	s28 =	simm.s32 $_size_execute0_lowered;
	s3 =	sadd.s32 s3, s5;
	[dreg:$0x0] =	wrdreg $0x0  }
0xa8: {  	s5 =	sshll.u32 s28, $0x1;
	[dreg:$0x2] =	wrdreg s3  }
0xa9: {  	[dreg:$0x3] =	wrdreg s5  }
0xaa: {  	[dreg:$0x4] =	wrdreg $0xC0  }
0xab: {  	_ =	task [dreg:s7], $0x5FFFF  }
0xac: {  	[dreg:$0x1] =	wrdreg $0xFFFFFFFF  }
0xad: {  	[dreg:$0x0] =	wrdreg $0x60  }
0xae: {  	[dreg:$0x2] =	wrdreg s24  }
0xaf: {  	[dreg:$0x3] =	wrdreg s2  }
0xb0: {  	[dreg:$0x4] =	wrdreg $0xA8000  }
0xb1: {  	[dreg:$0x5] =	wrdreg $0x9  }
0xb2: {  	_ =	task.clear_ibuf [dreg:s7], $0x6FFFF;
	_ =	strace $0x90000049  }
0xb3: {  	s29 =	simm.s32 $0x9;
	_ =	strace $0x8000004B  }
0xb4: {  	_ =	swait.ge [sflag:s29], $0x1  }
0xb5: {  	[sflag:s29] =	ssyncadd.s32 $0xFFFFFFFF  }
0xb6: {  	_ =	strace $0x9000004B  }
0xb7: {  	_ =	sfence  }
0xb8: {  	s30 =	sld [smem:$0x0];
	_ =	sdelay $0x2  }
0xb9: {  	s31 =	sshll.u32 s1, $0xD;
	s1 =	sshrl.u32 s1, $0x2  }
0xba: {  	s3 =	sand.u32 $0x4000, s31;
	s1 =	sadd.s32 s1, s30  }
0xbb: {  	s0 =	sor.u32 s3, s0;
	s1 =	sshll.u32 s1, $0x11  }
0xbc: {  	s0 =	sor.u32 s1, s0  }
0xbd: {  	s0 =	sadd.s32 $0x8F2B, s0  }
0xbe: {  	[sflag:s0] =	ssyncadd.remote.s32 $0x1  }
0xbf: {  	_ =	sfence.sel $0xFFFF  }
0xc0: {  	[dreg:$0x0] =	wrdreg $0xFFFFFFFF;
	(pc) =	sbr.abs _section_cstart, $3  }
0xc1: {  	[dreg:$0x1] =	wrdreg $0xFFFFFFFF  }
0xc2: {  	_ =	task.clear_ibuf [dreg:s7], $0x2FFFF;
	_ =	strace $0x9FFFFFFF  }
0xc3: {  	(tm) =	ssettm $0x7FFFFFFF  }
tec
execute0_lowered:
.L_overlay_start_1:
0x0: {  	(tag) =	ssettag $0x1  }
0x1: {  	s0 =	rddreg [dreg:$0x0]  }
0x2: {  	s1 =	rddreg [dreg:$0x1]  }
0x3: {  	s3 =	rddreg [dreg:$0x2];
	s2 =	srdreg.scid;
	s4 =	simm.s32 $0x0  }
0x4: {  	s14 =	stileid.u32;
	s28 =	simm.s32 $0x50;
	s29 =	simm.s32 $0x8000  }
0x5: {  	s30 =	simm.s32 $0x1;
	s31 =	simm.s32 $0x0;
	s2 =	sand.u32 $0x1, s2  }
0x6: {  	[smem:$0x7FF] =	sst s4;
	s24 =	sshll.u32 s14, $0xC;
	s11 =	smul.u32 $0x13C00, s14  }
0x7: {  	s6 =	sadd.s32 $0x4AE00, s0;
	s7 =	sadd.s32 $0x72000, s0;
	s9 =	sadd.s32 $0x15C400, s0  }
0x8: {  	s8 =	sadd.s32 $0x99200, s0;
	s10 =	sadd.s32 $0x183600, s0;
	s26 =	smul.u32 $0x4F000, s14  }
0x9: {  	s5 =	sshll.u32 s2, $0xB;
	_ =	strace $0x8000004A;
	s12 =	smul.u32 $0x9E0000, s2  }
0xa: {  	s2 =	ssub.s32 $0x2, s2;
	s4 =	sor.u32 s5, s24;
	s5 =	sadd.s32 $0x23C00, s0  }
0xb: {  	s15 =	sshrl.u32 s2, $0x1;
	s4 =	sadd.s32 s4, s0;
	s12 =	sadd.s32 s11, s12  }
0xc: {  	s11 =	sadd.s32 $0x1AA800, s0;
	s2 =	ssub.s32 s2, s15;
	s13 =	sshrl.u32 s12, $0x3  }
0xd: {  	s12 =	sadd.s32 $0x1D1A00, s0;
	s25 =	sadd.s32 $0x3C00, s4;
	s4 =	sadd.s32 $0x13C00, s4  }
0xe: {  	s24 =	smax.u32 s2, $0x1;
	s0 =	sadd.s32 s13, s0;
	[dreg:$0x4] =	wrdreg s25  }
0xf: {  	[dreg:$0x5] =	wrdreg s4;
	s15 =	sadd.s32 $0x1F8C00, s0;
	s16 =	sadd.s32 $0x220400, s0  }
0x10: {  	s4 =	sshrl.u32 s26, $0x2;
	s17 =	sadd.s32 $0x247C00, s0;
	s18 =	sadd.s32 $0x26F400, s0  }
0x11: {  	s25 =	simm.s32 $0x2;
	s20 =	sadd.s32 $0x296C00, s0;
	s21 =	sadd.s32 $0x2BE400, s0  }
0x12: {  	s19 =	sadd.s32 s4, s3;
	s22 =	sadd.s32 $0x2E5C00, s0;
	s23 =	sadd.s32 $0x30D400, s0  }
.LBB2_1:
0x13: {  	s0 =	simm.s32 $0x0;
	s2 =	rddreg [dreg:$0x4]  }
0x14: {  	[tilespmem:s0], [sflag:$0x2] =	stream.linear.gather [hbm4b:s2+s0], $0x3E80, $0x38;
	[tilespmem:$0x1E400] =	vst v63  }
0x15: {  	_ =	swait.ge [sflag:s25], $0x3E80  }
0x16: {  	[sflag:s25] =	ssyncset.done $0x0  }
0x17: {  	s4 =	simm.s32 $0x4000;
	s26 =	rddreg [dreg:$0x5];
	[sflag:s25] =	ssyncadd.s32 $0xFFFFC180  }
0x18: {  	[tilespmem:s4], [sflag:$0x2] =	stream.linear.gather [hbm4b:s26+s0], $0x3E80, $0x38;
	[tilespmem:$0x1E400] =	vst v63  }
0x19: {  	s4 =	stileid.u32;
	_ =	swait.ge [sflag:s25], $0x3E80  }
0x1a: {  	s0 =	sshll.u32 s4, $0x6;
	[sflag:s25] =	ssyncset.done $0x0  }
0x1b: {  	s26 =	sshrl.u32 s19, $0x3;
	s0 =	sor.u32 $0x1C02, s0;
	[sflag:s25] =	ssyncadd.s32 $0xFFFFC180  }
0x1c: {  	[spmem:s26], [sflag:s0] =	dma.local [hbm:s1], $0x2780  }
0x1d: {  	_ =	swait.ge [sflag:s25], $0x2780  }
0x1e: {  	[sflag:s25] =	ssyncset.done $0x0  }
0x1f: {  	[sflag:s25] =	ssyncadd.s32 $0xFFFFD880  }
0x20: {  	s13 =	simm.s32 $0x0;
	[bflag:$0x0] =	sbarrier.arrive $0xFFFF  }
0x21: {  	[tilespmem:s29], [sflag:$0x1] =	stream.indirect.gather [hbm4b:s5+s28], $0x80, s13, s28, $0xb8;
	[tilespmem:$0x1E400] =	vst v63  }
0x22: {  	_ =	swait.ge [sflag:s30], $0x2800  }
0x23: {  	[sflag:s30] =	ssyncset.done $0x0  }
0x24: {  	s14 =	simm.s32 $0x4000;
	[sflag:s30] =	ssyncadd.s32 $0xFFFFD800  }
0x25: {  	[spmem:s3] =	stream.indirect.scatter.add.f32 [tilespmem:s29], [sflag:$0x2], $0x80, s14, s28, $0xb8;
	[tilespmem:$0x1E400] =	vst v63  }
0x26: {  	_ =	swait.ge [sflag:s25], $0x2800  }
0x27: {  	s2 =	simm.s32 $0x200;
	s4 =	simm.s32 $0x400;
	[sflag:s25] =	ssyncset.done $0x0  }
.LBB2_2:
0x28: {  	s13 =	sshra.s32 s2, $0x2  }
0x29: {  	[sflag:s25] =	ssyncadd.s32 $0xFFFFD800;
	s2 =	smov.u32 s4;
	s14 =	sadd.s32 $0x200, s4  }
0x2a: {  	[tilespmem:s29], [sflag:$0x1] =	stream.indirect.gather [hbm4b:s5+s28], $0x80, s13, s28, $0xb8;
	[tilespmem:$0x1E400] =	vst v63  }
0x2b: {  	p0 =	sne.s32 s4, $0xF800;
	_ =	swait.ge [sflag:s30], $0x2800  }
.Ltmp0:
0x2c: {  	[sflag:s30] =	ssyncset.done $0x0;
	(pc) =	sbr.rel @p0 .LBB2_2-.Ltmp0, $4  }
0x2d: {  	s4 =	sadd.s32 $0x4000, s13;
	[sflag:s30] =	ssyncadd.s32 $0xFFFFD800  }
0x2e: {  	[spmem:s3] =	stream.indirect.scatter.add.f32 [tilespmem:s29], [sflag:$0x2], $0x80, s4, s28, $0xb8;
	[tilespmem:$0x1E400] =	vst v63  }
0x2f: {  	_ =	swait.ge [sflag:s25], $0x2800  }
0x30: {  	s4 =	smov.u32 s14;
	[sflag:s25] =	ssyncset.done $0x0  }
0x31: {  	s2 =	sshra.s32 s2, $0x2;
	[sflag:s25] =	ssyncadd.s32 $0xFFFFD800  }
0x32: {  	[tilespmem:s29], [sflag:$0x1] =	stream.indirect.gather [hbm4b:s5+s28], $0x80, s2, s28, $0xb8;
	[tilespmem:$0x1E400] =	vst v63  }
0x33: {  	_ =	swait.ge [sflag:s30], $0x2800  }
0x34: {  	[sflag:s30] =	ssyncset.done $0x0  }
0x35: {  	s2 =	sadd.s32 $0x4000, s2;
	[sflag:s30] =	ssyncadd.s32 $0xFFFFD800  }
0x36: {  	[spmem:s3] =	stream.indirect.scatter.add.f32 [tilespmem:s29], [sflag:$0x2], $0x80, s2, s28, $0xb8;
	[tilespmem:$0x1E400] =	vst v63  }
0x37: {  	_ =	swait.ge [sflag:s25], $0x2800  }
0x38: {  	[sflag:s25] =	ssyncset.done $0x0  }
0x39: {  	[sflag:s25] =	ssyncadd.s32 $0xFFFFD800  }
0x3a: {  	[bflag:$0x0] =	sbarrier.arrive $0xFFFF  }
0x3b: {  	[hbm:s15], [sflag:s0] =	dma.local [spmem:s26], $0x2780  }
0x3c: {  	_ =	swait.ge [sflag:s25], $0x2780  }
0x3d: {  	[sflag:s25] =	ssyncset.done $0x0  }
0x3e: {  	[sflag:s25] =	ssyncadd.s32 $0xFFFFD880  }
0x3f: {  	[bflag:$0x0] =	sbarrier.arrive $0xFFFF  }
0x40: {  	[spmem:s26], [sflag:s0] =	dma.local [hbm:s1], $0x2780  }
0x41: {  	_ =	swait.ge [sflag:s25], $0x2780  }
0x42: {  	[sflag:s25] =	ssyncset.done $0x0  }
0x43: {  	[sflag:s25] =	ssyncadd.s32 $0xFFFFD880  }
0x44: {  	s13 =	simm.s32 $0x0;
	[bflag:$0x0] =	sbarrier.arrive $0xFFFF  }
0x45: {  	[tilespmem:s29], [sflag:$0x1] =	stream.indirect.gather [hbm4b:s6+s28], $0x80, s13, s28, $0xb8;
	[tilespmem:$0x1E400] =	vst v63  }
0x46: {  	_ =	swait.ge [sflag:s30], $0x2800  }
0x47: {  	[sflag:s30] =	ssyncset.done $0x0  }
0x48: {  	s14 =	simm.s32 $0x4000;
	[sflag:s30] =	ssyncadd.s32 $0xFFFFD800  }
0x49: {  	[spmem:s3] =	stream.indirect.scatter.add.f32 [tilespmem:s29], [sflag:$0x2], $0x80, s14, s28, $0xb8;
	[tilespmem:$0x1E400] =	vst v63  }
0x4a: {  	_ =	swait.ge [sflag:s25], $0x2800  }
0x4b: {  	s4 =	simm.s32 $0x400;
	s2 =	simm.s32 $0x200;
	[sflag:s25] =	ssyncset.done $0x0  }
.LBB2_4:
0x4c: {  	s13 =	sshra.s32 s2, $0x2  }
0x4d: {  	[sflag:s25] =	ssyncadd.s32 $0xFFFFD800;
	s2 =	smov.u32 s4;
	s14 =	sadd.s32 $0x200, s4  }
0x4e: {  	[tilespmem:s29], [sflag:$0x1] =	stream.indirect.gather [hbm4b:s6+s28], $0x80, s13, s28, $0xb8;
	[tilespmem:$0x1E400] =	vst v63  }
0x4f: {  	p0 =	sne.s32 s4, $0xF800;
	_ =	swait.ge [sflag:s30], $0x2800  }
.Ltmp1:
0x50: {  	[sflag:s30] =	ssyncset.done $0x0;
	(pc) =	sbr.rel @p0 .LBB2_4-.Ltmp1, $4  }
0x51: {  	s4 =	sadd.s32 $0x4000, s13;
	[sflag:s30] =	ssyncadd.s32 $0xFFFFD800  }
0x52: {  	[spmem:s3] =	stream.indirect.scatter.add.f32 [tilespmem:s29], [sflag:$0x2], $0x80, s4, s28, $0xb8;
	[tilespmem:$0x1E400] =	vst v63  }
0x53: {  	_ =	swait.ge [sflag:s25], $0x2800  }
0x54: {  	s4 =	smov.u32 s14;
	[sflag:s25] =	ssyncset.done $0x0  }
0x55: {  	s2 =	sshra.s32 s2, $0x2;
	[sflag:s25] =	ssyncadd.s32 $0xFFFFD800  }
0x56: {  	[tilespmem:s29], [sflag:$0x1] =	stream.indirect.gather [hbm4b:s6+s28], $0x80, s2, s28, $0xb8;
	[tilespmem:$0x1E400] =	vst v63  }
0x57: {  	_ =	swait.ge [sflag:s30], $0x2800  }
0x58: {  	[sflag:s30] =	ssyncset.done $0x0  }
0x59: {  	s2 =	sadd.s32 $0x4000, s2;
	[sflag:s30] =	ssyncadd.s32 $0xFFFFD800  }
0x5a: {  	[spmem:s3] =	stream.indirect.scatter.add.f32 [tilespmem:s29], [sflag:$0x2], $0x80, s2, s28, $0xb8;
	[tilespmem:$0x1E400] =	vst v63  }
0x5b: {  	_ =	swait.ge [sflag:s25], $0x2800  }
0x5c: {  	[sflag:s25] =	ssyncset.done $0x0  }
0x5d: {  	[sflag:s25] =	ssyncadd.s32 $0xFFFFD800  }
0x5e: {  	[bflag:$0x0] =	sbarrier.arrive $0xFFFF  }
0x5f: {  	[hbm:s16], [sflag:s0] =	dma.local [spmem:s26], $0x2780  }
0x60: {  	_ =	swait.ge [sflag:s25], $0x2780  }
0x61: {  	[sflag:s25] =	ssyncset.done $0x0  }
0x62: {  	[sflag:s25] =	ssyncadd.s32 $0xFFFFD880  }
0x63: {  	[bflag:$0x0] =	sbarrier.arrive $0xFFFF  }
0x64: {  	[spmem:s26], [sflag:s0] =	dma.local [hbm:s1], $0x2780  }
0x65: {  	_ =	swait.ge [sflag:s25], $0x2780  }
0x66: {  	[sflag:s25] =	ssyncset.done $0x0  }
0x67: {  	[sflag:s25] =	ssyncadd.s32 $0xFFFFD880  }
0x68: {  	s13 =	simm.s32 $0x0;
	[bflag:$0x0] =	sbarrier.arrive $0xFFFF  }
0x69: {  	[tilespmem:s29], [sflag:$0x1] =	stream.indirect.gather [hbm4b:s7+s28], $0x80, s13, s28, $0xb8;
	[tilespmem:$0x1E400] =	vst v63  }
0x6a: {  	_ =	swait.ge [sflag:s30], $0x2800  }
0x6b: {  	[sflag:s30] =	ssyncset.done $0x0  }
0x6c: {  	s14 =	simm.s32 $0x4000;
	[sflag:s30] =	ssyncadd.s32 $0xFFFFD800  }
0x6d: {  	[spmem:s3] =	stream.indirect.scatter.add.f32 [tilespmem:s29], [sflag:$0x2], $0x80, s14, s28, $0xb8;
	[tilespmem:$0x1E400] =	vst v63  }
0x6e: {  	_ =	swait.ge [sflag:s25], $0x2800  }
0x6f: {  	s4 =	simm.s32 $0x400;
	s2 =	simm.s32 $0x200;
	[sflag:s25] =	ssyncset.done $0x0  }
.LBB2_6:
0x70: {  	s13 =	sshra.s32 s2, $0x2  }
0x71: {  	[sflag:s25] =	ssyncadd.s32 $0xFFFFD800;
	s2 =	smov.u32 s4;
	s14 =	sadd.s32 $0x200, s4  }
0x72: {  	[tilespmem:s29], [sflag:$0x1] =	stream.indirect.gather [hbm4b:s7+s28], $0x80, s13, s28, $0xb8;
	[tilespmem:$0x1E400] =	vst v63  }
0x73: {  	p0 =	sne.s32 s4, $0xF800;
	_ =	swait.ge [sflag:s30], $0x2800  }
.Ltmp2:
0x74: {  	[sflag:s30] =	ssyncset.done $0x0;
	(pc) =	sbr.rel @p0 .LBB2_6-.Ltmp2, $4  }
0x75: {  	s4 =	sadd.s32 $0x4000, s13;
	[sflag:s30] =	ssyncadd.s32 $0xFFFFD800  }
0x76: {  	[spmem:s3] =	stream.indirect.scatter.add.f32 [tilespmem:s29], [sflag:$0x2], $0x80, s4, s28, $0xb8;
	[tilespmem:$0x1E400] =	vst v63  }
0x77: {  	_ =	swait.ge [sflag:s25], $0x2800  }
0x78: {  	s4 =	smov.u32 s14;
	[sflag:s25] =	ssyncset.done $0x0  }
0x79: {  	s2 =	sshra.s32 s2, $0x2;
	[sflag:s25] =	ssyncadd.s32 $0xFFFFD800  }
0x7a: {  	[tilespmem:s29], [sflag:$0x1] =	stream.indirect.gather [hbm4b:s7+s28], $0x80, s2, s28, $0xb8;
	[tilespmem:$0x1E400] =	vst v63  }
0x7b: {  	_ =	swait.ge [sflag:s30], $0x2800  }
0x7c: {  	[sflag:s30] =	ssyncset.done $0x0  }
0x7d: {  	s2 =	sadd.s32 $0x4000, s2;
	[sflag:s30] =	ssyncadd.s32 $0xFFFFD800  }
0x7e: {  	[spmem:s3] =	stream.indirect.scatter.add.f32 [tilespmem:s29], [sflag:$0x2], $0x80, s2, s28, $0xb8;
	[tilespmem:$0x1E400] =	vst v63  }
0x7f: {  	_ =	swait.ge [sflag:s25], $0x2800  }
0x80: {  	[sflag:s25] =	ssyncset.done $0x0  }
0x81: {  	[sflag:s25] =	ssyncadd.s32 $0xFFFFD800  }
0x82: {  	[bflag:$0x0] =	sbarrier.arrive $0xFFFF  }
0x83: {  	[hbm:s17], [sflag:s0] =	dma.local [spmem:s26], $0x2780  }
0x84: {  	_ =	swait.ge [sflag:s25], $0x2780  }
0x85: {  	[sflag:s25] =	ssyncset.done $0x0  }
0x86: {  	[sflag:s25] =	ssyncadd.s32 $0xFFFFD880  }
0x87: {  	[bflag:$0x0] =	sbarrier.arrive $0xFFFF  }
0x88: {  	[spmem:s26], [sflag:s0] =	dma.local [hbm:s1], $0x2780  }
0x89: {  	_ =	swait.ge [sflag:s25], $0x2780  }
0x8a: {  	[sflag:s25] =	ssyncset.done $0x0  }
0x8b: {  	[sflag:s25] =	ssyncadd.s32 $0xFFFFD880  }
0x8c: {  	s13 =	simm.s32 $0x0;
	[bflag:$0x0] =	sbarrier.arrive $0xFFFF  }
0x8d: {  	[tilespmem:s29], [sflag:$0x1] =	stream.indirect.gather [hbm4b:s8+s28], $0x80, s13, s28, $0xb8;
	[tilespmem:$0x1E400] =	vst v63  }
0x8e: {  	_ =	swait.ge [sflag:s30], $0x2800  }
0x8f: {  	[sflag:s30] =	ssyncset.done $0x0  }
0x90: {  	s14 =	simm.s32 $0x4000;
	[sflag:s30] =	ssyncadd.s32 $0xFFFFD800  }
0x91: {  	[spmem:s3] =	stream.indirect.scatter.add.f32 [tilespmem:s29], [sflag:$0x2], $0x80, s14, s28, $0xb8;
	[tilespmem:$0x1E400] =	vst v63  }
0x92: {  	_ =	swait.ge [sflag:s25], $0x2800  }
0x93: {  	s4 =	simm.s32 $0x400;
	s2 =	simm.s32 $0x200;
	[sflag:s25] =	ssyncset.done $0x0  }
.LBB2_8:
0x94: {  	s13 =	sshra.s32 s2, $0x2  }
0x95: {  	[sflag:s25] =	ssyncadd.s32 $0xFFFFD800;
	s2 =	smov.u32 s4;
	s14 =	sadd.s32 $0x200, s4  }
0x96: {  	[tilespmem:s29], [sflag:$0x1] =	stream.indirect.gather [hbm4b:s8+s28], $0x80, s13, s28, $0xb8;
	[tilespmem:$0x1E400] =	vst v63  }
0x97: {  	p0 =	sne.s32 s4, $0xF800;
	_ =	swait.ge [sflag:s30], $0x2800  }
.Ltmp3:
0x98: {  	[sflag:s30] =	ssyncset.done $0x0;
	(pc) =	sbr.rel @p0 .LBB2_8-.Ltmp3, $4  }
0x99: {  	s4 =	sadd.s32 $0x4000, s13;
	[sflag:s30] =	ssyncadd.s32 $0xFFFFD800  }
0x9a: {  	[spmem:s3] =	stream.indirect.scatter.add.f32 [tilespmem:s29], [sflag:$0x2], $0x80, s4, s28, $0xb8;
	[tilespmem:$0x1E400] =	vst v63  }
0x9b: {  	_ =	swait.ge [sflag:s25], $0x2800  }
0x9c: {  	s4 =	smov.u32 s14;
	[sflag:s25] =	ssyncset.done $0x0  }
0x9d: {  	s2 =	sshra.s32 s2, $0x2;
	[sflag:s25] =	ssyncadd.s32 $0xFFFFD800  }
0x9e: {  	[tilespmem:s29], [sflag:$0x1] =	stream.indirect.gather [hbm4b:s8+s28], $0x80, s2, s28, $0xb8;
	[tilespmem:$0x1E400] =	vst v63  }
0x9f: {  	_ =	swait.ge [sflag:s30], $0x2800  }
0xa0: {  	[sflag:s30] =	ssyncset.done $0x0  }
0xa1: {  	s2 =	sadd.s32 $0x4000, s2;
	[sflag:s30] =	ssyncadd.s32 $0xFFFFD800  }
0xa2: {  	[spmem:s3] =	stream.indirect.scatter.add.f32 [tilespmem:s29], [sflag:$0x2], $0x80, s2, s28, $0xb8;
	[tilespmem:$0x1E400] =	vst v63  }
0xa3: {  	_ =	swait.ge [sflag:s25], $0x2800  }
0xa4: {  	[sflag:s25] =	ssyncset.done $0x0  }
0xa5: {  	[sflag:s25] =	ssyncadd.s32 $0xFFFFD800  }
0xa6: {  	[bflag:$0x0] =	sbarrier.arrive $0xFFFF  }
0xa7: {  	[hbm:s18], [sflag:s0] =	dma.local [spmem:s26], $0x2780  }
0xa8: {  	_ =	swait.ge [sflag:s25], $0x2780  }
0xa9: {  	[sflag:s25] =	ssyncset.done $0x0  }
0xaa: {  	[sflag:s25] =	ssyncadd.s32 $0xFFFFD880  }
0xab: {  	[bflag:$0x0] =	sbarrier.arrive $0xFFFF  }
0xac: {  	[spmem:s26], [sflag:s0] =	dma.local [hbm:s1], $0x2780  }
0xad: {  	_ =	swait.ge [sflag:s25], $0x2780  }
0xae: {  	[sflag:s25] =	ssyncset.done $0x0  }
0xaf: {  	[sflag:s25] =	ssyncadd.s32 $0xFFFFD880  }
0xb0: {  	s13 =	simm.s32 $0x0;
	[bflag:$0x0] =	sbarrier.arrive $0xFFFF  }
0xb1: {  	[tilespmem:s29], [sflag:$0x1] =	stream.indirect.gather [hbm4b:s9+s28], $0x80, s13, s28, $0xb8;
	[tilespmem:$0x1E400] =	vst v63  }
0xb2: {  	_ =	swait.ge [sflag:s30], $0x2800  }
0xb3: {  	[sflag:s30] =	ssyncset.done $0x0  }
0xb4: {  	s14 =	simm.s32 $0x4000;
	[sflag:s30] =	ssyncadd.s32 $0xFFFFD800  }
0xb5: {  	[spmem:s3] =	stream.indirect.scatter.add.f32 [tilespmem:s29], [sflag:$0x2], $0x80, s14, s28, $0xb8;
	[tilespmem:$0x1E400] =	vst v63  }
0xb6: {  	_ =	swait.ge [sflag:s25], $0x2800  }
0xb7: {  	s4 =	simm.s32 $0x400;
	s2 =	simm.s32 $0x200;
	[sflag:s25] =	ssyncset.done $0x0  }
.LBB2_10:
0xb8: {  	s13 =	sshra.s32 s2, $0x2  }
0xb9: {  	[sflag:s25] =	ssyncadd.s32 $0xFFFFD800;
	s2 =	smov.u32 s4;
	s14 =	sadd.s32 $0x200, s4  }
0xba: {  	[tilespmem:s29], [sflag:$0x1] =	stream.indirect.gather [hbm4b:s9+s28], $0x80, s13, s28, $0xb8;
	[tilespmem:$0x1E400] =	vst v63  }
0xbb: {  	p0 =	sne.s32 s4, $0xF800;
	_ =	swait.ge [sflag:s30], $0x2800  }
.Ltmp4:
0xbc: {  	[sflag:s30] =	ssyncset.done $0x0;
	(pc) =	sbr.rel @p0 .LBB2_10-.Ltmp4, $4  }
0xbd: {  	s4 =	sadd.s32 $0x4000, s13;
	[sflag:s30] =	ssyncadd.s32 $0xFFFFD800  }
0xbe: {  	[spmem:s3] =	stream.indirect.scatter.add.f32 [tilespmem:s29], [sflag:$0x2], $0x80, s4, s28, $0xb8;
	[tilespmem:$0x1E400] =	vst v63  }
0xbf: {  	_ =	swait.ge [sflag:s25], $0x2800  }
0xc0: {  	s4 =	smov.u32 s14;
	[sflag:s25] =	ssyncset.done $0x0  }
0xc1: {  	s2 =	sshra.s32 s2, $0x2;
	[sflag:s25] =	ssyncadd.s32 $0xFFFFD800  }
0xc2: {  	[tilespmem:s29], [sflag:$0x1] =	stream.indirect.gather [hbm4b:s9+s28], $0x80, s2, s28, $0xb8;
	[tilespmem:$0x1E400] =	vst v63  }
0xc3: {  	_ =	swait.ge [sflag:s30], $0x2800  }
0xc4: {  	[sflag:s30] =	ssyncset.done $0x0  }
0xc5: {  	s2 =	sadd.s32 $0x4000, s2;
	[sflag:s30] =	ssyncadd.s32 $0xFFFFD800  }
0xc6: {  	[spmem:s3] =	stream.indirect.scatter.add.f32 [tilespmem:s29], [sflag:$0x2], $0x80, s2, s28, $0xb8;
	[tilespmem:$0x1E400] =	vst v63  }
0xc7: {  	_ =	swait.ge [sflag:s25], $0x2800  }
0xc8: {  	[sflag:s25] =	ssyncset.done $0x0  }
0xc9: {  	[sflag:s25] =	ssyncadd.s32 $0xFFFFD800  }
0xca: {  	[bflag:$0x0] =	sbarrier.arrive $0xFFFF  }
0xcb: {  	[hbm:s20], [sflag:s0] =	dma.local [spmem:s26], $0x2780  }
0xcc: {  	_ =	swait.ge [sflag:s25], $0x2780  }
0xcd: {  	[sflag:s25] =	ssyncset.done $0x0  }
0xce: {  	[sflag:s25] =	ssyncadd.s32 $0xFFFFD880  }
0xcf: {  	[bflag:$0x0] =	sbarrier.arrive $0xFFFF  }
0xd0: {  	[spmem:s26], [sflag:s0] =	dma.local [hbm:s1], $0x2780  }
0xd1: {  	_ =	swait.ge [sflag:s25], $0x2780  }
0xd2: {  	[sflag:s25] =	ssyncset.done $0x0  }
0xd3: {  	[sflag:s25] =	ssyncadd.s32 $0xFFFFD880  }
0xd4: {  	s13 =	simm.s32 $0x0;
	[bflag:$0x0] =	sbarrier.arrive $0xFFFF  }
0xd5: {  	[tilespmem:s29], [sflag:$0x1] =	stream.indirect.gather [hbm4b:s10+s28], $0x80, s13, s28, $0xb8;
	[tilespmem:$0x1E400] =	vst v63  }
0xd6: {  	_ =	swait.ge [sflag:s30], $0x2800  }
0xd7: {  	[sflag:s30] =	ssyncset.done $0x0  }
0xd8: {  	s14 =	simm.s32 $0x4000;
	[sflag:s30] =	ssyncadd.s32 $0xFFFFD800  }
0xd9: {  	[spmem:s3] =	stream.indirect.scatter.add.f32 [tilespmem:s29], [sflag:$0x2], $0x80, s14, s28, $0xb8;
	[tilespmem:$0x1E400] =	vst v63  }
0xda: {  	_ =	swait.ge [sflag:s25], $0x2800  }
0xdb: {  	s4 =	simm.s32 $0x400;
	s2 =	simm.s32 $0x200;
	[sflag:s25] =	ssyncset.done $0x0  }
.LBB2_12:
0xdc: {  	s13 =	sshra.s32 s2, $0x2  }
0xdd: {  	[sflag:s25] =	ssyncadd.s32 $0xFFFFD800;
	s2 =	smov.u32 s4;
	s14 =	sadd.s32 $0x200, s4  }
0xde: {  	[tilespmem:s29], [sflag:$0x1] =	stream.indirect.gather [hbm4b:s10+s28], $0x80, s13, s28, $0xb8;
	[tilespmem:$0x1E400] =	vst v63  }
0xdf: {  	p0 =	sne.s32 s4, $0xF800;
	_ =	swait.ge [sflag:s30], $0x2800  }
.Ltmp5:
0xe0: {  	[sflag:s30] =	ssyncset.done $0x0;
	(pc) =	sbr.rel @p0 .LBB2_12-.Ltmp5, $4  }
0xe1: {  	s4 =	sadd.s32 $0x4000, s13;
	[sflag:s30] =	ssyncadd.s32 $0xFFFFD800  }
0xe2: {  	[spmem:s3] =	stream.indirect.scatter.add.f32 [tilespmem:s29], [sflag:$0x2], $0x80, s4, s28, $0xb8;
	[tilespmem:$0x1E400] =	vst v63  }
0xe3: {  	_ =	swait.ge [sflag:s25], $0x2800  }
0xe4: {  	s4 =	smov.u32 s14;
	[sflag:s25] =	ssyncset.done $0x0  }
0xe5: {  	s2 =	sshra.s32 s2, $0x2;
	[sflag:s25] =	ssyncadd.s32 $0xFFFFD800  }
0xe6: {  	[tilespmem:s29], [sflag:$0x1] =	stream.indirect.gather [hbm4b:s10+s28], $0x80, s2, s28, $0xb8;
	[tilespmem:$0x1E400] =	vst v63  }
0xe7: {  	_ =	swait.ge [sflag:s30], $0x2800  }
0xe8: {  	[sflag:s30] =	ssyncset.done $0x0  }
0xe9: {  	s2 =	sadd.s32 $0x4000, s2;
	[sflag:s30] =	ssyncadd.s32 $0xFFFFD800  }
0xea: {  	[spmem:s3] =	stream.indirect.scatter.add.f32 [tilespmem:s29], [sflag:$0x2], $0x80, s2, s28, $0xb8;
	[tilespmem:$0x1E400] =	vst v63  }
0xeb: {  	_ =	swait.ge [sflag:s25], $0x2800  }
0xec: {  	[sflag:s25] =	ssyncset.done $0x0  }
0xed: {  	[sflag:s25] =	ssyncadd.s32 $0xFFFFD800  }
0xee: {  	[bflag:$0x0] =	sbarrier.arrive $0xFFFF  }
0xef: {  	[hbm:s21], [sflag:s0] =	dma.local [spmem:s26], $0x2780  }
0xf0: {  	_ =	swait.ge [sflag:s25], $0x2780  }
0xf1: {  	[sflag:s25] =	ssyncset.done $0x0  }
0xf2: {  	[sflag:s25] =	ssyncadd.s32 $0xFFFFD880  }
0xf3: {  	[bflag:$0x0] =	sbarrier.arrive $0xFFFF  }
0xf4: {  	[spmem:s26], [sflag:s0] =	dma.local [hbm:s1], $0x2780  }
0xf5: {  	_ =	swait.ge [sflag:s25], $0x2780  }
0xf6: {  	[sflag:s25] =	ssyncset.done $0x0  }
0xf7: {  	[sflag:s25] =	ssyncadd.s32 $0xFFFFD880  }
0xf8: {  	s13 =	simm.s32 $0x0;
	[bflag:$0x0] =	sbarrier.arrive $0xFFFF  }
0xf9: {  	[tilespmem:s29], [sflag:$0x1] =	stream.indirect.gather [hbm4b:s11+s28], $0x80, s13, s28, $0xb8;
	[tilespmem:$0x1E400] =	vst v63  }
0xfa: {  	_ =	swait.ge [sflag:s30], $0x2800  }
0xfb: {  	[sflag:s30] =	ssyncset.done $0x0  }
0xfc: {  	s14 =	simm.s32 $0x4000;
	[sflag:s30] =	ssyncadd.s32 $0xFFFFD800  }
0xfd: {  	[spmem:s3] =	stream.indirect.scatter.add.f32 [tilespmem:s29], [sflag:$0x2], $0x80, s14, s28, $0xb8;
	[tilespmem:$0x1E400] =	vst v63  }
0xfe: {  	_ =	swait.ge [sflag:s25], $0x2800  }
0xff: {  	s4 =	simm.s32 $0x400;
	s2 =	simm.s32 $0x200;
	[sflag:s25] =	ssyncset.done $0x0  }
.LBB2_14:
0x100: {  	s13 =	sshra.s32 s2, $0x2  }
0x101: {  	[sflag:s25] =	ssyncadd.s32 $0xFFFFD800;
	s2 =	smov.u32 s4;
	s14 =	sadd.s32 $0x200, s4  }
0x102: {  	[tilespmem:s29], [sflag:$0x1] =	stream.indirect.gather [hbm4b:s11+s28], $0x80, s13, s28, $0xb8;
	[tilespmem:$0x1E400] =	vst v63  }
0x103: {  	p0 =	sne.s32 s4, $0xF800;
	_ =	swait.ge [sflag:s30], $0x2800  }
.Ltmp6:
0x104: {  	[sflag:s30] =	ssyncset.done $0x0;
	(pc) =	sbr.rel @p0 .LBB2_14-.Ltmp6, $4  }
0x105: {  	s4 =	sadd.s32 $0x4000, s13;
	[sflag:s30] =	ssyncadd.s32 $0xFFFFD800  }
0x106: {  	[spmem:s3] =	stream.indirect.scatter.add.f32 [tilespmem:s29], [sflag:$0x2], $0x80, s4, s28, $0xb8;
	[tilespmem:$0x1E400] =	vst v63  }
0x107: {  	_ =	swait.ge [sflag:s25], $0x2800  }
0x108: {  	s4 =	smov.u32 s14;
	[sflag:s25] =	ssyncset.done $0x0  }
0x109: {  	s2 =	sshra.s32 s2, $0x2;
	[sflag:s25] =	ssyncadd.s32 $0xFFFFD800  }
0x10a: {  	[tilespmem:s29], [sflag:$0x1] =	stream.indirect.gather [hbm4b:s11+s28], $0x80, s2, s28, $0xb8;
	[tilespmem:$0x1E400] =	vst v63  }
0x10b: {  	_ =	swait.ge [sflag:s30], $0x2800  }
0x10c: {  	[sflag:s30] =	ssyncset.done $0x0  }
0x10d: {  	s2 =	sadd.s32 $0x4000, s2;
	[sflag:s30] =	ssyncadd.s32 $0xFFFFD800  }
0x10e: {  	[spmem:s3] =	stream.indirect.scatter.add.f32 [tilespmem:s29], [sflag:$0x2], $0x80, s2, s28, $0xb8;
	[tilespmem:$0x1E400] =	vst v63  }
0x10f: {  	_ =	swait.ge [sflag:s25], $0x2800  }
0x110: {  	[sflag:s25] =	ssyncset.done $0x0  }
0x111: {  	[sflag:s25] =	ssyncadd.s32 $0xFFFFD800  }
0x112: {  	[bflag:$0x0] =	sbarrier.arrive $0xFFFF  }
0x113: {  	[hbm:s22], [sflag:s0] =	dma.local [spmem:s26], $0x2780  }
0x114: {  	_ =	swait.ge [sflag:s25], $0x2780  }
0x115: {  	[sflag:s25] =	ssyncset.done $0x0  }
0x116: {  	[sflag:s25] =	ssyncadd.s32 $0xFFFFD880  }
0x117: {  	[bflag:$0x0] =	sbarrier.arrive $0xFFFF  }
0x118: {  	[spmem:s26], [sflag:s0] =	dma.local [hbm:s1], $0x2780  }
0x119: {  	_ =	swait.ge [sflag:s25], $0x2780  }
0x11a: {  	[sflag:s25] =	ssyncset.done $0x0  }
0x11b: {  	[sflag:s25] =	ssyncadd.s32 $0xFFFFD880  }
0x11c: {  	s13 =	simm.s32 $0x0;
	[bflag:$0x0] =	sbarrier.arrive $0xFFFF  }
0x11d: {  	[tilespmem:s29], [sflag:$0x1] =	stream.indirect.gather [hbm4b:s12+s28], $0x80, s13, s28, $0xb8;
	[tilespmem:$0x1E400] =	vst v63  }
0x11e: {  	_ =	swait.ge [sflag:s30], $0x2800  }
0x11f: {  	[sflag:s30] =	ssyncset.done $0x0  }
0x120: {  	s14 =	simm.s32 $0x4000;
	[sflag:s30] =	ssyncadd.s32 $0xFFFFD800  }
0x121: {  	[spmem:s3] =	stream.indirect.scatter.add.f32 [tilespmem:s29], [sflag:$0x2], $0x80, s14, s28, $0xb8;
	[tilespmem:$0x1E400] =	vst v63  }
0x122: {  	_ =	swait.ge [sflag:s25], $0x2800  }
0x123: {  	s4 =	simm.s32 $0x400;
	s2 =	simm.s32 $0x200;
	[sflag:s25] =	ssyncset.done $0x0  }
.LBB2_16:
0x124: {  	s13 =	sshra.s32 s2, $0x2  }
0x125: {  	[sflag:s25] =	ssyncadd.s32 $0xFFFFD800;
	s2 =	smov.u32 s4;
	s14 =	sadd.s32 $0x200, s4  }
0x126: {  	[tilespmem:s29], [sflag:$0x1] =	stream.indirect.gather [hbm4b:s12+s28], $0x80, s13, s28, $0xb8;
	[tilespmem:$0x1E400] =	vst v63  }
0x127: {  	p0 =	sne.s32 s4, $0xF800;
	_ =	swait.ge [sflag:s30], $0x2800  }
.Ltmp7:
0x128: {  	[sflag:s30] =	ssyncset.done $0x0;
	(pc) =	sbr.rel @p0 .LBB2_16-.Ltmp7, $4  }
0x129: {  	s4 =	sadd.s32 $0x4000, s13;
	[sflag:s30] =	ssyncadd.s32 $0xFFFFD800  }
0x12a: {  	[spmem:s3] =	stream.indirect.scatter.add.f32 [tilespmem:s29], [sflag:$0x2], $0x80, s4, s28, $0xb8;
	[tilespmem:$0x1E400] =	vst v63  }
0x12b: {  	_ =	swait.ge [sflag:s25], $0x2800  }
0x12c: {  	s4 =	smov.u32 s14;
	[sflag:s25] =	ssyncset.done $0x0  }
0x12d: {  	s2 =	sshra.s32 s2, $0x2;
	[sflag:s25] =	ssyncadd.s32 $0xFFFFD800  }
0x12e: {  	[tilespmem:s29], [sflag:$0x1] =	stream.indirect.gather [hbm4b:s12+s28], $0x80, s2, s28, $0xb8;
	[tilespmem:$0x1E400] =	vst v63  }
0x12f: {  	_ =	swait.ge [sflag:s30], $0x2800  }
0x130: {  	[sflag:s30] =	ssyncset.done $0x0  }
0x131: {  	s2 =	sadd.s32 $0x4000, s2;
	[sflag:s30] =	ssyncadd.s32 $0xFFFFD800  }
0x132: {  	[spmem:s3] =	stream.indirect.scatter.add.f32 [tilespmem:s29], [sflag:$0x2], $0x80, s2, s28, $0xb8;
	[tilespmem:$0x1E400] =	vst v63  }
0x133: {  	_ =	swait.ge [sflag:s25], $0x2800  }
0x134: {  	[sflag:s25] =	ssyncset.done $0x0  }
0x135: {  	s31 =	sadd.s32 $0x1, s31;
	[sflag:s25] =	ssyncadd.s32 $0xFFFFD800  }
0x136: {  	p0 =	sne.s32 s31, s24;
	[bflag:$0x0] =	sbarrier.arrive $0xFFFF  }
0x137: {  	[hbm:s23], [sflag:s0] =	dma.local [spmem:s26], $0x2780  }
.Ltmp8:
0x138: {  	_ =	swait.ge [sflag:s25], $0x2780;
	(pc) =	sbr.rel @p0 .LBB2_1-.Ltmp8, $3  }
0x139: {  	[sflag:s25] =	ssyncset.done $0x0  }
0x13a: {  	[sflag:s25] =	ssyncadd.s32 $0xFFFFD880  }
0x13b: {  	[bflag:$0x0] =	sbarrier.arrive $0xFFFF;
	_ =	sdelay $0x1  }
0x13c: {  	_ =	sfence.sel $0x180000  }
0x13d: {  	[bflag:$0x0] =	sbarrier.arrive $0xFFFF  }
0x13e: {  	_ =	strace $0x9000004A  }
0x13f: {  	s0 =	stileid.u32;
	[bflag:$0x2] =	sbarrier.arrive $0xFFFF  }
0x140: {  	p0 =	sne.s32 s0, $0x0;
	s0 =	rddreg [dreg:$0x3]  }
0x141: {  	s0 =	sadd.s32 @!p0 $0x100000, s0  }
0x142: {  	[sflag:s0] =	ssyncadd.tile.s32 @!p0 $0x1;
	_ =	shalt  }
.Lfunc_end2:
_tile_overlayer_lowered:
.L_overlay_start_2:
0x143: {  	(tag) =	ssettag $0x2  }
0x144: {  	s0 =	rddreg [dreg:$0x0];
	s2 =	stileid.u32  }
0x145: {  	s1 =	rddreg [dreg:$0x1];
	p0 =	sne.s32 s2, $0x0  }
0x146: {  	s3 =	rddreg [dreg:$0x2];
	[bflag:$0x3] =	sbarrier.arrive $0xFFFF;
	s2 =	simm.s32 @!p0 $0x1C02  }
0x147: {  	[timem:s3], [sflag:s2] =	dma.local @!p0 [hbm:s0], s1  }
0x148: {  	s0 =	simm.s32 @!p0 $0x2  }
0x149: {  	_ =	swait.ge @!p0 [sflag:s0], s1  }
0x14a: {  	s1 =	ssub.s32 @!p0 $0x0, s1;
	[sflag:s0] =	ssyncset.done @!p0 $0x0  }
0x14b: {  	[sflag:s0] =	ssyncadd.s32 @!p0 s1  }
0x14c: {  	[bflag:$0x3] =	sbarrier.arrive $0xFFFF  }
0x14d: {  	_ =	shalt  }

// kernel: kernel.8.cloned.1.call-start
scs
__scs_entry_jumppad:
0x0: {  	(pc) =	sbr.rel $0x88, $3  }
0x1: {  	(tag) =	ssettag $0x0;
	lr =	simm.s32 $0x1  }
0x2: {  	[smem:$0x3F8F] =	sst lr;
	_ =	strace $0xD0000000  }
0x3: {  	_ = 	snop  }
0x4: {  	_ = 	snop  }
0x5: {  	_ = 	snop  }
0x6: {  	_ = 	snop  }
0x7: {  	_ = 	snop  }
__scs_overlays_trampoline_lowered:
0x8: {  	[smem:$0x3F9E] =	sst s0  }
0x9: {  	[smem:$0x3F9F] =	sst s1  }
0xa: {  	[smem:$0x3FA0] =	sst s2  }
0xb: {  	[smem:$0x3FA1] =	sst s3  }
0xc: {  	[smem:$0x3FA2] =	sst s4  }
0xd: {  	[smem:$0x3FA3] =	sst s5  }
0xe: {  	[smem:$0x3FA4] =	sst s6  }
0xf: {  	[smem:$0x3FA5] =	sst s7  }
0x10: {  	[smem:$0x3FA6] =	sst s8  }
0x11: {  	[smem:$0x3FA7] =	sst s9;
	s0 =	simm.s32 @!p0 $0x0  }
0x12: {  	s1 =	sld [smem:$0x3F8D];
	s0 =	simm.s32 @p0 $0x1  }
0x13: {  	[smem:$0x3FA8] =	sst s0;
	s0 =	simm.s32 @!p1 $0x0  }
0x14: {  	s2 =	sld [smem:$0x3F8C];
	s0 =	simm.s32 @p1 $0x1  }
0x15: {  	[smem:$0x3FA9] =	sst s0;
	s0 =	simm.s32 @!p2 $0x0  }
0x16: {  	s3 =	sld [smem:$0x3FDB];
	s0 =	simm.s32 @p2 $0x1  }
0x17: {  	s4 =	simm.s32 $0x1BF5;
	[smem:$0x3FAB] =	sst s0  }
0x18: {  	s0 =	sld [smem:$0x3F8E];
	_ =	swait.ge [sflag:s4], $0x0  }
0x19: {  	s7 =	sld [smem:$0x3F8F]  }
0x1a: {  	s8 =	sadd.s32 $0xFFFFE003, lr  }
0x1b: {  	s9 =	sadd.s32 $0xFFFFFEF7, lr;
	s5 =	simm.s32 $0xFFFFFFFF;
	p2 =	slt.u32 s8, $0xFFFFF086  }
0x1c: {  	p1 =	slt.u32 s9, $0xF7A;
	s5 =	simm.s32 @!p2 $0x0  }
0x1d: {  	s5 =	simm.s32 @p1 $0x1;
	p0 =	seq.s32 s7, s2  }
0x1e: {  	s7 =	smul.u32 @!p0 $0xF7A, s2;
	p2 =	seq.s32 @!p0 s5, $0x0  }
0x1f: {  	s9 =	smul.u32 $0xF7A, s1;
	s8 =	simm.s32 @!p0 $0x1BF5;
	p2 =	por !p2, p0  }
0x20: {  	[sflag:s8] =	ssyncset.s32 @!p0 $0xFFFFF086;
	s6 =	sadd.s32 @!p0 s3, s7;
	s7 =	simm.s32 @!p0 $0x108  }
0x21: {  	s3 =	sadd.s32 s3, s9;
	s6 =	sadd.s32 @!p0 $0x88, s6;
	s7 =	simm.s32 @p2 $0x1082  }
0x22: {  	[simem:s7], [sflag:s8] =	dma.local @!p0 [hbm:s6], $0xF7A  }
0x23: {  	s9 =	sor.u32 $0xD0000000, s2;
	s6 =	simm.s32 $0x108;
	_ =	swait.ge @!p0 [sflag:s8], $0x0  }
0x24: {  	s3 =	sadd.s32 $0x88, s3;
	s6 =	simm.s32 @!p1 $0x1082;
	[sflag:s4] =	ssyncset.s32 $0xFFFFF086  }
0x25: {  	[simem:s6], [sflag:s4] =	dma.local [hbm:s3], $0xF7A  }
0x26: {  	[smem:$0x3F8F] =	sst s1;
	(tag) =	ssettag s2;
	_ =	strace s9  }
0x27: {  	s1 =	sld [smem:$0x3F9F]  }
0x28: {  	s2 =	sld [smem:$0x3FA0]  }
0x29: {  	s4 =	sld [smem:$0x3FA2]  }
0x2a: {  	p0 =	seq.s32 s5, $0x0;
	s5 =	sld [smem:$0x3FA3]  }
0x2b: {  	s6 =	sld [smem:$0x3FA4]  }
0x2c: {  	s7 =	sld [smem:$0x3FA5]  }
0x2d: {  	s3 =	simm.s32 $0x108;
	s8 =	sld [smem:$0x3FA6]  }
0x2e: {  	s3 =	simm.s32 @!p0 $0x1082;
	s9 =	sld [smem:$0x3FA7]  }
0x2f: {  	lr =	sadd.s32 s0, s3;
	s0 =	sld [smem:$0x3F9E]  }
0x30: {  	s3 =	sld [smem:$0x3FA1]  }
0x31: {  	[smem:$0x3FAA] =	sst s10  }
0x32: {  	s10 =	sld [smem:$0x3FA8];
	_ =	sdelay $0x3  }
0x33: {  	p0 =	seq.s32 s10, $0x1;
	s10 =	sld [smem:$0x3FAA];
	_ =	sdelay $0x3  }
0x34: {  	[smem:$0x3FAA] =	sst s10  }
0x35: {  	s10 =	sld [smem:$0x3FA9];
	_ =	sdelay $0x3  }
0x36: {  	p1 =	seq.s32 s10, $0x1;
	s10 =	sld [smem:$0x3FAA];
	_ =	sdelay $0x3  }
0x37: {  	[smem:$0x3FAA] =	sst s10  }
0x38: {  	s10 =	sld [smem:$0x3FAB]  }
0x39: {  	_ = 	snop;
	(pc) =	sbr.ind lr, $3  }
0x3a: {  	_ = 	snop  }
0x3b: {  	_ = 	snop  }
0x3c: {  	p2 =	seq.s32 s10, $0x1;
	s10 =	sld [smem:$0x3FAA]  }
0x3d: {  	_ =	shalt  }
0x3e: {  	_ =	shalt  }
0x3f: {  	_ =	shalt  }
0x40: {  	_ =	shalt  }
0x41: {  	_ =	shalt  }
0x42: {  	_ =	shalt  }
0x43: {  	_ =	shalt  }
0x44: {  	_ =	shalt  }
0x45: {  	_ =	shalt  }
0x46: {  	_ =	shalt  }
0x47: {  	_ =	shalt  }
0x48: {  	_ =	shalt  }
0x49: {  	_ =	shalt  }
0x4a: {  	_ =	shalt  }
0x4b: {  	_ =	shalt  }
0x4c: {  	_ =	shalt  }
0x4d: {  	_ =	shalt  }
0x4e: {  	_ =	shalt  }
0x4f: {  	_ =	shalt  }
0x50: {  	_ =	shalt  }
0x51: {  	_ =	shalt  }
0x52: {  	_ =	shalt  }
0x53: {  	_ =	shalt  }
0x54: {  	_ =	shalt  }
0x55: {  	_ =	shalt  }
0x56: {  	_ =	shalt  }
0x57: {  	_ =	shalt  }
0x58: {  	_ =	shalt  }
0x59: {  	_ =	shalt  }
0x5a: {  	_ =	shalt  }
0x5b: {  	_ =	shalt  }
0x5c: {  	_ =	shalt  }
0x5d: {  	_ =	shalt  }
0x5e: {  	_ =	shalt  }
0x5f: {  	_ =	shalt  }
0x60: {  	_ =	shalt  }
0x61: {  	_ =	shalt  }
0x62: {  	_ =	shalt  }
0x63: {  	_ =	shalt  }
0x64: {  	_ =	shalt  }
0x65: {  	_ =	shalt  }
0x66: {  	_ =	shalt  }
0x67: {  	_ =	shalt  }
0x68: {  	_ =	shalt  }
0x69: {  	_ =	shalt  }
0x6a: {  	_ =	shalt  }
0x6b: {  	_ =	shalt  }
0x6c: {  	_ =	shalt  }
0x6d: {  	_ =	shalt  }
0x6e: {  	_ =	shalt  }
0x6f: {  	_ =	shalt  }
0x70: {  	_ =	shalt  }
0x71: {  	_ =	shalt  }
0x72: {  	_ =	shalt  }
0x73: {  	_ =	shalt  }
0x74: {  	_ =	shalt  }
0x75: {  	_ =	shalt  }
0x76: {  	_ =	shalt  }
0x77: {  	_ =	shalt  }
0x78: {  	_ =	shalt  }
0x79: {  	_ =	shalt  }
0x7a: {  	_ =	shalt  }
0x7b: {  	_ =	shalt  }
0x7c: {  	_ =	shalt  }
0x7d: {  	_ =	shalt  }
0x7e: {  	_ =	shalt  }
0x7f: {  	_ =	shalt  }
0x80: {  	_ =	shalt  }
0x81: {  	_ =	shalt  }
0x82: {  	_ =	shalt  }
0x83: {  	_ =	shalt  }
0x84: {  	_ =	shalt  }
0x85: {  	_ =	shalt  }
0x86: {  	_ =	shalt  }
0x87: {  	_ =	shalt  }
.Lfunc_end0:
.L_simem_size_0:
called_computation_lowered:
.L_overlay_start_0:
0x88: {  	s2 =	sld [smem:$0x3FD9]  }
0x89: {  	s3 =	sld [smem:$0x3FFE];
	_ =	sdelay $0x1  }
0x8a: {  	s1 =	srdreg.scid  }
0x8b: {  	s0 =	sand.u32 $0x1, s1  }
0x8c: {  	s17 =	sshll.u32 s0, $0xA;
	s2 =	sadd.s32 s3, s2  }
0x8d: {  	s2 =	sadd.s32 s2, s17  }
0x8e: {  	[smem:$0x3FB6] =	sst s2  }
0x8f: {  	_ = 	snop  }
0x90: {  	s2 =	sld [smem:$0x3FC9]  }
0x91: {  	s18 =	sld [smem:$0x3FD0];
	(tm) =	ssettm $0x1  }
0x92: {  	s4 =	sld [smem:$0x3FFB];
	_ =	sdelay $0x3  }
0x93: {  	_ =	strace s4  }
0x94: {  	s4 =	sld [smem:$0x3FFC];
	_ =	sdelay $0x3  }
0x95: {  	_ =	strace s4  }
0x96: {  	s4 =	sld [smem:$0x3FFD];
	_ =	sdelay $0x3  }
0x97: {  	_ =	strace s4  }
0x98: {  	_ =	strace $0x8FFFFFFF  }
0x99: {  	s19 =	sld [smem:$0x3FDB];
	_ =	sdelay $0x1  }
0x9a: {  	s5 =	simm.s32 $_scs_section_size  }
0x9b: {  	s6 =	simm.s32 $_size__tile_overlayer_lowered;
	s7 =	simm.s32 $_tile_overlayer_lowered  }
0x9c: {  	s22 =	simm.s32 $0x1BFF;
	s21 =	sshll.u32 s7, $0x1;
	s4 =	sadd.s32 s5, s19  }
0x9d: {  	s8 =	simm.s32 $0x0;
	s20 =	sshll.u32 s6, $0x1;
	s6 =	sadd.s32 s21, s4  }
0x9e: {  	[timem:s8], [sflag:s22] =	dma.local [hbm:s6], s20  }
0x9f: {  	_ =	swait.ge [sflag:s22], s20  }
0xa0: {  	s5 =	ssub.s32 $0x0, s20;
	[sflag:s22] =	ssyncset.done $0x0  }
0xa1: {  	[sflag:s22] =	ssyncadd.s32 s5;
	_ =	sdelay $0x1  }
0xa2: {  	s23 =	simm.s32 $0x1B8B  }
0xa3: {  	_ =	swait.ge [sflag:s23], $0x1  }
0xa4: {  	[sflag:s23] =	ssyncset.done $0x0  }
0xa5: {  	s25 =	simm.s32 $0x1B8E;
	s24 =	sld [smem:$0x3FFE];
	[sflag:s23] =	ssyncadd.s32 $0xFFFFFFFF  }
0xa6: {  	s26 =	simm.s32 $execute0_lowered;
	[smem:$0x3FD2] =	sst s25  }
0xa7: {  	s6 =	sshll.u32 s26, $0x1;
	_ =	strace $0x80000046;
	[dreg:$0x1] =	wrdreg $0xFFFFFFFF  }
0xa8: {  	s28 =	simm.s32 $_size_execute0_lowered;
	s4 =	sadd.s32 s4, s6;
	[dreg:$0x0] =	wrdreg $0x0  }
0xa9: {  	s6 =	sshll.u32 s28, $0x1;
	[dreg:$0x2] =	wrdreg s4  }
0xaa: {  	[dreg:$0x3] =	wrdreg s6  }
0xab: {  	[dreg:$0x4] =	wrdreg $0xC0  }
0xac: {  	_ =	task [dreg:s8], $0x5FFFF  }
0xad: {  	[dreg:$0x1] =	wrdreg $0xFFFFFFFF  }
0xae: {  	[dreg:$0x0] =	wrdreg $0x60  }
0xaf: {  	[dreg:$0x2] =	wrdreg s24  }
0xb0: {  	[dreg:$0x3] =	wrdreg s18  }
0xb1: {  	[dreg:$0x4] =	wrdreg s2  }
0xb2: {  	[dreg:$0x5] =	wrdreg $0xA8000  }
0xb3: {  	[dreg:$0x6] =	wrdreg $0x9  }
0xb4: {  	_ =	task.clear_ibuf [dreg:s8], $0x7FFFF;
	_ =	strace $0x90000046  }
0xb5: {  	s29 =	simm.s32 $0x9;
	_ =	strace $0x80000048  }
0xb6: {  	_ =	swait.ge [sflag:s29], $0x1  }
0xb7: {  	[sflag:s29] =	ssyncadd.s32 $0xFFFFFFFF  }
0xb8: {  	_ =	strace $0x90000048  }
0xb9: {  	_ =	sfence  }
0xba: {  	s30 =	sld [smem:$0x0];
	_ =	sdelay $0x2  }
0xbb: {  	s31 =	sshll.u32 s1, $0xD;
	s1 =	sshrl.u32 s1, $0x2  }
0xbc: {  	s3 =	sand.u32 $0x4000, s31;
	s1 =	sadd.s32 s1, s30  }
0xbd: {  	s0 =	sor.u32 s3, s0;
	s1 =	sshll.u32 s1, $0x11  }
0xbe: {  	s0 =	sor.u32 s1, s0  }
0xbf: {  	s0 =	sadd.s32 $0x8F2B, s0  }
0xc0: {  	[sflag:s0] =	ssyncadd.remote.s32 $0x1  }
0xc1: {  	_ =	sfence.sel $0xFFFF  }
0xc2: {  	[dreg:$0x0] =	wrdreg $0xFFFFFFFF;
	(pc) =	sbr.abs _section_cstart, $3  }
0xc3: {  	[dreg:$0x1] =	wrdreg $0xFFFFFFFF  }
0xc4: {  	_ =	task.clear_ibuf [dreg:s8], $0x2FFFF;
	_ =	strace $0x9FFFFFFF  }
0xc5: {  	(tm) =	ssettm $0x7FFFFFFF  }
tec
execute0_lowered:
.L_overlay_start_1:
0x0: {  	(tag) =	ssettag $0x1  }
0x1: {  	s6 =	rddreg [dreg:$0x0]  }
0x2: {  	s1 =	rddreg [dreg:$0x1]  }
0x3: {  	s2 =	rddreg [dreg:$0x2]  }
0x4: {  	s3 =	rddreg [dreg:$0x3]  }
0x5: {  	s4 =	srdreg.scid;
	s0 =	rddreg [dreg:$0x4]  }
0x6: {  	s5 =	simm.s32 $0x0;
	s14 =	simm.s32 $0x50;
	s15 =	simm.s32 $0x8000  }
0x7: {  	s16 =	simm.s32 $0x1;
	s7 =	sand.u32 $0x1, s4;
	s4 =	stileid.u32  }
0x8: {  	s17 =	simm.s32 $0x0;
	[smem:$0x7FF] =	sst s5;
	s8 =	smul.u32 $0x13C000, s7  }
0x9: {  	s9 =	smul.u32 $0x13C00, s4;
	_ =	strace $0x80000047;
	s10 =	sshll.u32 s4, $0xC  }
0xa: {  	s11 =	sshll.u32 s7, $0xB;
	s7 =	ssub.s32 $0x2, s7;
	s30 =	smul.u32 $0x4F000, s4  }
0xb: {  	s12 =	sshll.u32 s4, $0x6;
	s10 =	sor.u32 s11, s10;
	s29 =	sshrl.u32 s7, $0x1  }
0xc: {  	s11 =	simm.s32 $0x4000;
	s12 =	sor.u32 $0x1C02, s12;
	s8 =	sadd.s32 s9, s8  }
0xd: {  	s10 =	sadd.s32 s10, s6;
	s9 =	ssub.s32 s7, s29;
	s31 =	sshrl.u32 s30, $0x2  }
0xe: {  	s8 =	sshrl.u32 s8, $0x3;
	s7 =	sadd.s32 $0x13C00, s10;
	s13 =	sadd.s32 s31, s3  }
0xf: {  	s9 =	smax.u32 s9, $0x1;
	s8 =	sadd.s32 s8, s6;
	s6 =	sadd.s32 $0x3C00, s10  }
0x10: {  	s10 =	simm.s32 $0x2;
	s13 =	sshrl.u32 s13, $0x3;
	s8 =	sadd.s32 $0x23C00, s8  }
.LBB2_1:
0x11: {  	[tilespmem:s5], [sflag:$0x2] =	stream.linear.gather [hbm4b:s6+s5], $0x3E80, $0x38;
	[tilespmem:$0x1E400] =	vst v63  }
0x12: {  	_ =	swait.ge [sflag:s10], $0x3E80  }
0x13: {  	[sflag:s10] =	ssyncset.done $0x0  }
0x14: {  	[sflag:s10] =	ssyncadd.s32 $0xFFFFC180  }
0x15: {  	[tilespmem:s11], [sflag:$0x2] =	stream.linear.gather [hbm4b:s7+s5], $0x3E80, $0x38;
	[tilespmem:$0x1E400] =	vst v63  }
0x16: {  	_ =	swait.ge [sflag:s10], $0x3E80  }
0x17: {  	[sflag:s10] =	ssyncset.done $0x0  }
0x18: {  	[sflag:s10] =	ssyncadd.s32 $0xFFFFC180  }
0x19: {  	[spmem:s13], [sflag:s12] =	dma.local [hbm:s1], $0x2780  }
0x1a: {  	_ =	swait.ge [sflag:s10], $0x2780  }
0x1b: {  	[sflag:s10] =	ssyncset.done $0x0  }
0x1c: {  	[sflag:s10] =	ssyncadd.s32 $0xFFFFD880  }
0x1d: {  	s18 =	simm.s32 $0x0;
	[bflag:$0x0] =	sbarrier.arrive $0xFFFF  }
0x1e: {  	[tilespmem:s15], [sflag:$0x1] =	stream.indirect.gather [hbm4b:s2+s14], $0x80, s18, s14, $0xb8;
	[tilespmem:$0x1E400] =	vst v63  }
0x1f: {  	_ =	swait.ge [sflag:s16], $0x2800  }
0x20: {  	[sflag:s16] =	ssyncset.done $0x0  }
0x21: {  	s31 =	simm.s32 $0x4000;
	[sflag:s16] =	ssyncadd.s32 $0xFFFFD800  }
0x22: {  	[spmem:s3] =	stream.indirect.scatter.add.f32 [tilespmem:s15], [sflag:$0x2], $0x80, s31, s14, $0xb8;
	[tilespmem:$0x1E400] =	vst v63  }
0x23: {  	_ =	swait.ge [sflag:s10], $0x2800  }
0x24: {  	s19 =	simm.s32 $0x400;
	s18 =	simm.s32 $0x200;
	[sflag:s10] =	ssyncset.done $0x0  }
.LBB2_2:
0x25: {  	s20 =	sshra.s32 s18, $0x2  }
0x26: {  	[sflag:s10] =	ssyncadd.s32 $0xFFFFD800;
	s18 =	smov.u32 s19;
	s21 =	sadd.s32 $0x200, s19  }
0x27: {  	[tilespmem:s15], [sflag:$0x1] =	stream.indirect.gather [hbm4b:s2+s14], $0x80, s20, s14, $0xb8;
	[tilespmem:$0x1E400] =	vst v63  }
0x28: {  	p0 =	sne.s32 s19, $0xF800;
	_ =	swait.ge [sflag:s16], $0x2800  }
.Ltmp0:
0x29: {  	[sflag:s16] =	ssyncset.done $0x0;
	(pc) =	sbr.rel @p0 .LBB2_2-.Ltmp0, $4  }
0x2a: {  	s19 =	sadd.s32 $0x4000, s20;
	[sflag:s16] =	ssyncadd.s32 $0xFFFFD800  }
0x2b: {  	[spmem:s3] =	stream.indirect.scatter.add.f32 [tilespmem:s15], [sflag:$0x2], $0x80, s19, s14, $0xb8;
	[tilespmem:$0x1E400] =	vst v63  }
0x2c: {  	_ =	swait.ge [sflag:s10], $0x2800  }
0x2d: {  	s19 =	smov.u32 s21;
	[sflag:s10] =	ssyncset.done $0x0  }
0x2e: {  	s18 =	sshra.s32 s18, $0x2;
	[sflag:s10] =	ssyncadd.s32 $0xFFFFD800  }
0x2f: {  	[tilespmem:s15], [sflag:$0x1] =	stream.indirect.gather [hbm4b:s2+s14], $0x80, s18, s14, $0xb8;
	[tilespmem:$0x1E400] =	vst v63  }
0x30: {  	_ =	swait.ge [sflag:s16], $0x2800  }
0x31: {  	[sflag:s16] =	ssyncset.done $0x0  }
0x32: {  	s18 =	sadd.s32 $0x4000, s18;
	[sflag:s16] =	ssyncadd.s32 $0xFFFFD800  }
0x33: {  	[spmem:s3] =	stream.indirect.scatter.add.f32 [tilespmem:s15], [sflag:$0x2], $0x80, s18, s14, $0xb8;
	[tilespmem:$0x1E400] =	vst v63  }
0x34: {  	_ =	swait.ge [sflag:s10], $0x2800  }
0x35: {  	[sflag:s10] =	ssyncset.done $0x0  }
0x36: {  	s17 =	sadd.s32 $0x1, s17;
	[sflag:s10] =	ssyncadd.s32 $0xFFFFD800  }
0x37: {  	p0 =	sne.s32 s17, s9;
	[bflag:$0x0] =	sbarrier.arrive $0xFFFF  }
0x38: {  	[hbm:s8], [sflag:s12] =	dma.local [spmem:s13], $0x2780  }
.Ltmp1:
0x39: {  	_ =	swait.ge [sflag:s10], $0x2780;
	(pc) =	sbr.rel @p0 .LBB2_1-.Ltmp1, $3  }
0x3a: {  	[sflag:s10] =	ssyncset.done $0x0  }
0x3b: {  	[sflag:s10] =	ssyncadd.s32 $0xFFFFD880  }
0x3c: {  	[bflag:$0x0] =	sbarrier.arrive $0xFFFF;
	_ =	sdelay $0x1  }
0x3d: {  	_ =	sfence.sel $0x180000  }
0x3e: {  	[bflag:$0x0] =	sbarrier.arrive $0xFFFF  }
0x3f: {  	p0 =	sne.s32 s4, $0x0;
	_ =	strace $0x90000047  }
0x40: {  	s0 =	sadd.s32 @!p0 $0x100000, s0;
	[bflag:$0x2] =	sbarrier.arrive $0xFFFF  }
0x41: {  	[sflag:s0] =	ssyncadd.tile.s32 @!p0 $0x1;
	_ =	shalt  }
.Lfunc_end2:
_tile_overlayer_lowered:
.L_overlay_start_2:
0x42: {  	(tag) =	ssettag $0x2  }
0x43: {  	s0 =	rddreg [dreg:$0x0];
	s2 =	stileid.u32  }
0x44: {  	s1 =	rddreg [dreg:$0x1];
	p0 =	sne.s32 s2, $0x0  }
0x45: {  	s3 =	rddreg [dreg:$0x2];
	[bflag:$0x3] =	sbarrier.arrive $0xFFFF;
	s2 =	simm.s32 @!p0 $0x1C02  }
0x46: {  	[timem:s3], [sflag:s2] =	dma.local @!p0 [hbm:s0], s1  }
0x47: {  	s0 =	simm.s32 @!p0 $0x2  }
0x48: {  	_ =	swait.ge @!p0 [sflag:s0], s1  }
0x49: {  	s1 =	ssub.s32 @!p0 $0x0, s1;
	[sflag:s0] =	ssyncset.done @!p0 $0x0  }
0x4a: {  	[sflag:s0] =	ssyncadd.s32 @!p0 s1  }
0x4b: {  	[bflag:$0x3] =	sbarrier.arrive $0xFFFF  }
0x4c: {  	_ =	shalt  }

</sc_bundles>
